<compile_context>
chip_gen: v7x
topology: tpu7x:2x2x1
jax: 0.10.2.dev20260603
libtpu: 0.0.44.dev20260713+nightly
codegen_flags: <defaults>
</compile_context>

<pallas_src>
import functools

import jax
import jax.numpy as jnp
from jax import lax
from jax.experimental import pallas as pl
from jax.experimental.pallas import tpu as pltpu
from jax.experimental.pallas import tpu_sc as plsc

_EMBED_DIM = 128
_D4 = _EMBED_DIM // 4
_NUM_FEATURES = 100
_PERIOD = 12
_ROWS_PER_WORKER = 8
_NUM_WORKERS = 13
_TAIL_BASE = 96
_COMP_ROWS = 16
_L = 16


def _sc_build(price_W, size_W, exchange_W, pair_W):
    mesh = plsc.VectorSubcoreMesh(
        core_axis_name="c", subcore_axis_name="s", num_cores=1, num_subcores=_NUM_WORKERS)

    @functools.partial(
        pl.kernel,
        out_type=jax.ShapeDtypeStruct((_NUM_FEATURES, _EMBED_DIM), jnp.float32),
        mesh=mesh,
        scratch_types=[
            pltpu.VMEM((1, _D4), jnp.float32),
            pltpu.VMEM((1, _D4), jnp.float32),
            pltpu.VMEM((4, _D4), jnp.float32),
            pltpu.VMEM((5, _D4), jnp.float32),
            pltpu.VMEM((_COMP_ROWS, _EMBED_DIM), jnp.float32),
            pltpu.SemaphoreType.DMA,
        ],
    )
    def k(p_hbm, s_hbm, e_hbm, pr_hbm, out_hbm, p_v, s_v, e_v, pr_v, comp_v, sem):
        wid = lax.axis_index("s")

        @pl.when(wid < _NUM_WORKERS)
        def _():
            copies = [pltpu.async_copy(src, dst, sem)
                      for src, dst in ((p_hbm, p_v), (s_hbm, s_v),
                                       (e_hbm, e_v), (pr_hbm, pr_v))]
            for c in copies:
                c.wait()
            halves = []
            for ref, rows in ((p_v, 1), (s_v, 1), (e_v, 3), (pr_v, 4)):
                for r in range(rows):
                    halves.append((ref[r, pl.ds(0, _L)], ref[r, pl.ds(_L, _L)]))
            for r in range(_COMP_ROWS):
                rr = r % _PERIOD
                srcs = (0, 1, 2 + rr % 3, 5 + rr % 4)
                for s, src in enumerate(srcs):
                    lo, hi = halves[src]
                    comp_v[r, pl.ds(s * _D4, _L)] = lo
                    comp_v[r, pl.ds(s * _D4 + _L, _L)] = hi
            @pl.when(wid < _NUM_WORKERS - 1)
            def _():
                base = wid * _ROWS_PER_WORKER
                start = lax.rem(base, _PERIOD)
                pltpu.sync_copy(comp_v.at[pl.ds(start, _ROWS_PER_WORKER)],
                                out_hbm.at[pl.ds(base, _ROWS_PER_WORKER)])

            @pl.when(wid == _NUM_WORKERS - 1)
            def _():
                pltpu.sync_copy(comp_v.at[pl.ds(0, _NUM_FEATURES - _TAIL_BASE)],
                                out_hbm.at[pl.ds(_TAIL_BASE, _NUM_FEATURES - _TAIL_BASE)])

    return k(price_W, size_W, exchange_W, pair_W)


def kernel(num_features, price_W, size_W, exchange_W, pair_W):
    del num_features
    return _sc_build(price_W, size_W, exchange_W, pair_W)

# --- scband reference (transcript-rebuilt; emitter-appended) ---
"""Pipeline reference for scband-cross-market-compound-embedding-3478923510364 (READ-ONLY COPY).

The authoritative reference and input builder live on the scoring server;
editing this copy changes nothing except your own understanding.
"""

import jax, jax.numpy as jnp
import numpy as np

EMBED_DIM = 128
D4 = EMBED_DIM // 4
NUM_FEATURES = 100


def setup_inputs(seed: int = 0) -> dict:
    key = jax.random.key(seed)
    k1, k2, k3, k4 = jax.random.split(key, 4)
    price_W = jax.random.normal(k1, (1, D4), dtype=jnp.float32)
    size_W = jax.random.normal(k2, (1, D4), dtype=jnp.float32)
    exchange_W = jax.random.normal(k3, (4, D4), dtype=jnp.float32)
    pair_W = jax.random.normal(k4, (5, D4), dtype=jnp.float32)
    return {
        "num_features": NUM_FEATURES,
        "price_W": price_W,
        "size_W": size_W,
        "exchange_W": exchange_W,
        "pair_W": pair_W,
    }


def reference(num_features, price_W, size_W, exchange_W, pair_W):
    # Faithful vectorization of the per-feature loop:
    # row i = cat(price_W[0], size_W[0], exchange_W[i % 3], pair_W[i % 4])
    idx = jnp.arange(NUM_FEATURES) + (num_features - NUM_FEATURES)
    ex_idx = idx % 3
    pr_idx = idx % 4
    price = jnp.broadcast_to(price_W[0], (NUM_FEATURES, price_W.shape[1]))
    size = jnp.broadcast_to(size_W[0], (NUM_FEATURES, size_W.shape[1]))
    ex = jnp.take(exchange_W, ex_idx, axis=0)
    pr = jnp.take(pair_W, pr_idx, axis=0)
    return jnp.concatenate([price, size, ex, pr], axis=1)

if __name__ == "__main__":
    import jax
    _d = setup_inputs()
    print(jax.jit(kernel)(*tuple(_d.values())))

</pallas_src>

<mosaic_0001>
#map = affine_map<(d0, d1) -> (0, 0)>
module attributes {stable_mosaic.version = 14 : i64} {
  func.func @k(%arg0: i32, %arg1: i32, %arg2: memref<1x32xf32, #tpu.memory_space<hbm>>, %arg3: memref<1x32xf32, #tpu.memory_space<hbm>>, %arg4: memref<4x32xf32, #tpu.memory_space<hbm>>, %arg5: memref<5x32xf32, #tpu.memory_space<hbm>>, %arg6: memref<100x128xf32, #tpu.memory_space<hbm>>, %arg7: memref<1x32xf32, #tpu.memory_space<vmem>>, %arg8: memref<1x32xf32, #tpu.memory_space<vmem>>, %arg9: memref<4x32xf32, #tpu.memory_space<vmem>>, %arg10: memref<5x32xf32, #tpu.memory_space<vmem>>, %arg11: memref<16x128xf32, #tpu.memory_space<vmem>>, %arg12: memref<!tpu.dma_semaphore, #tpu.memory_space<semaphore_mem>>) attributes {dimension_semantics = [#tpu.dimension_semantics<core_parallel>, #tpu.dimension_semantics<subcore_parallel>], iteration_bounds = array<i64: 1, 13>, scalar_prefetch = 0 : i64, scratch_operands = 6 : i64, tpu.core_type = #tpu.core_type<sc_vector_subcore>, window_params = [{transform_indices = #map}, {transform_indices = #map}, {transform_indices = #map}, {transform_indices = #map}, {transform_indices = #map}]} {
    %lt3A = arith.constant 13 : i32
    %lt3A_0 = arith.cmpi slt, %arg1, %lt3A : i32
    %convert_element_type3A = arith.extui %lt3A_0 : i1 to i32
    %cond3A = arith.constant 0 : i32
    %cond3A_1 = arith.cmpi ne, %convert_element_type3A, %cond3A : i32
    scf.if %cond3A_1 {
      tpu.enqueue_dma source(%arg2 : memref<1x32xf32, #tpu.memory_space<hbm>>) target(%arg7 : memref<1x32xf32, #tpu.memory_space<vmem>>) target_semaphore(%arg12 : memref<!tpu.dma_semaphore, #tpu.memory_space<semaphore_mem>>)
      tpu.enqueue_dma source(%arg3 : memref<1x32xf32, #tpu.memory_space<hbm>>) target(%arg8 : memref<1x32xf32, #tpu.memory_space<vmem>>) target_semaphore(%arg12 : memref<!tpu.dma_semaphore, #tpu.memory_space<semaphore_mem>>)
      tpu.enqueue_dma source(%arg4 : memref<4x32xf32, #tpu.memory_space<hbm>>) target(%arg9 : memref<4x32xf32, #tpu.memory_space<vmem>>) target_semaphore(%arg12 : memref<!tpu.dma_semaphore, #tpu.memory_space<semaphore_mem>>)
      tpu.enqueue_dma source(%arg5 : memref<5x32xf32, #tpu.memory_space<hbm>>) target(%arg10 : memref<5x32xf32, #tpu.memory_space<vmem>>) target_semaphore(%arg12 : memref<!tpu.dma_semaphore, #tpu.memory_space<semaphore_mem>>)
      tpu.wait_dma2 semaphore(%arg12 : memref<!tpu.dma_semaphore, #tpu.memory_space<semaphore_mem>>) src(%arg2 : memref<1x32xf32, #tpu.memory_space<hbm>>) dst(%arg7 : memref<1x32xf32, #tpu.memory_space<vmem>>)
      tpu.wait_dma2 semaphore(%arg12 : memref<!tpu.dma_semaphore, #tpu.memory_space<semaphore_mem>>) src(%arg3 : memref<1x32xf32, #tpu.memory_space<hbm>>) dst(%arg8 : memref<1x32xf32, #tpu.memory_space<vmem>>)
      tpu.wait_dma2 semaphore(%arg12 : memref<!tpu.dma_semaphore, #tpu.memory_space<semaphore_mem>>) src(%arg4 : memref<4x32xf32, #tpu.memory_space<hbm>>) dst(%arg9 : memref<4x32xf32, #tpu.memory_space<vmem>>)
      tpu.wait_dma2 semaphore(%arg12 : memref<!tpu.dma_semaphore, #tpu.memory_space<semaphore_mem>>) src(%arg5 : memref<5x32xf32, #tpu.memory_space<hbm>>) dst(%arg10 : memref<5x32xf32, #tpu.memory_space<vmem>>)
      %get3A = arith.constant 0 : i32
      %get3A_2 = arith.index_cast %get3A : i32 to index
      %get3A_3 = arith.constant 0 : index
      %get3A_4 = tpu.vector_load %arg7[%get3A_2, %get3A_3] {strides = array<i32>} : memref<1x32xf32, #tpu.memory_space<vmem>>, vector<1x16xf32>,
      %get3A_5 = vector.shape_cast %get3A_4 : vector<1x16xf32> to vector<16xf32>
      %get3A_6 = arith.constant 0 : i32
      %get3A_7 = arith.index_cast %get3A_6 : i32 to index
      %get3A_8 = arith.constant 16 : index
      %get3A_9 = tpu.vector_load %arg7[%get3A_7, %get3A_8] {strides = array<i32>} : memref<1x32xf32, #tpu.memory_space<vmem>>, vector<1x16xf32>,
      %get3A_10 = vector.shape_cast %get3A_9 : vector<1x16xf32> to vector<16xf32>
      %get3A_11 = arith.constant 0 : i32
      %get3A_12 = arith.index_cast %get3A_11 : i32 to index
      %get3A_13 = arith.constant 0 : index
      %get3A_14 = tpu.vector_load %arg8[%get3A_12, %get3A_13] {strides = array<i32>} : memref<1x32xf32, #tpu.memory_space<vmem>>, vector<1x16xf32>,
      %get3A_15 = vector.shape_cast %get3A_14 : vector<1x16xf32> to vector<16xf32>
      %get3A_16 = arith.constant 0 : i32
      %get3A_17 = arith.index_cast %get3A_16 : i32 to index
      %get3A_18 = arith.constant 16 : index
      %get3A_19 = tpu.vector_load %arg8[%get3A_17, %get3A_18] {strides = array<i32>} : memref<1x32xf32, #tpu.memory_space<vmem>>, vector<1x16xf32>,
      %get3A_20 = vector.shape_cast %get3A_19 : vector<1x16xf32> to vector<16xf32>
      %get3A_21 = arith.constant 0 : i32
      %get3A_22 = arith.index_cast %get3A_21 : i32 to index
      %get3A_23 = arith.constant 0 : index
      %get3A_24 = tpu.vector_load %arg9[%get3A_22, %get3A_23] {strides = array<i32>} : memref<4x32xf32, #tpu.memory_space<vmem>>, vector<1x16xf32>,
      %get3A_25 = vector.shape_cast %get3A_24 : vector<1x16xf32> to vector<16xf32>
      %get3A_26 = arith.constant 0 : i32
      %get3A_27 = arith.index_cast %get3A_26 : i32 to index
      %get3A_28 = arith.constant 16 : index
      %get3A_29 = tpu.vector_load %arg9[%get3A_27, %get3A_28] {strides = array<i32>} : memref<4x32xf32, #tpu.memory_space<vmem>>, vector<1x16xf32>,
      %get3A_30 = vector.shape_cast %get3A_29 : vector<1x16xf32> to vector<16xf32>
      %get3A_31 = arith.constant 1 : i32
      %get3A_32 = arith.index_cast %get3A_31 : i32 to index
      %get3A_33 = arith.constant 0 : index
      %get3A_34 = tpu.vector_load %arg9[%get3A_32, %get3A_33] {strides = array<i32>} : memref<4x32xf32, #tpu.memory_space<vmem>>, vector<1x16xf32>,
      %get3A_35 = vector.shape_cast %get3A_34 : vector<1x16xf32> to vector<16xf32>
      %get3A_36 = arith.constant 1 : i32
      %get3A_37 = arith.index_cast %get3A_36 : i32 to index
      %get3A_38 = arith.constant 16 : index
      %get3A_39 = tpu.vector_load %arg9[%get3A_37, %get3A_38] {strides = array<i32>} : memref<4x32xf32, #tpu.memory_space<vmem>>, vector<1x16xf32>,
      %get3A_40 = vector.shape_cast %get3A_39 : vector<1x16xf32> to vector<16xf32>
      %get3A_41 = arith.constant 2 : i32
      %get3A_42 = arith.index_cast %get3A_41 : i32 to index
      %get3A_43 = arith.constant 0 : index
      %get3A_44 = tpu.vector_load %arg9[%get3A_42, %get3A_43] {strides = array<i32>} : memref<4x32xf32, #tpu.memory_space<vmem>>, vector<1x16xf32>,
      %get3A_45 = vector.shape_cast %get3A_44 : vector<1x16xf32> to vector<16xf32>
      %get3A_46 = arith.constant 2 : i32
      %get3A_47 = arith.index_cast %get3A_46 : i32 to index
      %get3A_48 = arith.constant 16 : index
      %get3A_49 = tpu.vector_load %arg9[%get3A_47, %get3A_48] {strides = array<i32>} : memref<4x32xf32, #tpu.memory_space<vmem>>, vector<1x16xf32>,
      %get3A_50 = vector.shape_cast %get3A_49 : vector<1x16xf32> to vector<16xf32>
      %get3A_51 = arith.constant 0 : i32
      %get3A_52 = arith.index_cast %get3A_51 : i32 to index
      %get3A_53 = arith.constant 0 : index
      %get3A_54 = tpu.vector_load %arg10[%get3A_52, %get3A_53] {strides = array<i32>} : memref<5x32xf32, #tpu.memory_space<vmem>>, vector<1x16xf32>,
      %get3A_55 = vector.shape_cast %get3A_54 : vector<1x16xf32> to vector<16xf32>
      %get3A_56 = arith.constant 0 : i32
      %get3A_57 = arith.index_cast %get3A_56 : i32 to index
      %get3A_58 = arith.constant 16 : index
      %get3A_59 = tpu.vector_load %arg10[%get3A_57, %get3A_58] {strides = array<i32>} : memref<5x32xf32, #tpu.memory_space<vmem>>, vector<1x16xf32>,
      %get3A_60 = vector.shape_cast %get3A_59 : vector<1x16xf32> to vector<16xf32>
      %get3A_61 = arith.constant 1 : i32
      %get3A_62 = arith.index_cast %get3A_61 : i32 to index
      %get3A_63 = arith.constant 0 : index
      %get3A_64 = tpu.vector_load %arg10[%get3A_62, %get3A_63] {strides = array<i32>} : memref<5x32xf32, #tpu.memory_space<vmem>>, vector<1x16xf32>,
      %get3A_65 = vector.shape_cast %get3A_64 : vector<1x16xf32> to vector<16xf32>
      %get3A_66 = arith.constant 1 : i32
      %get3A_67 = arith.index_cast %get3A_66 : i32 to index
      %get3A_68 = arith.constant 16 : index
      %get3A_69 = tpu.vector_load %arg10[%get3A_67, %get3A_68] {strides = array<i32>} : memref<5x32xf32, #tpu.memory_space<vmem>>, vector<1x16xf32>,
      %get3A_70 = vector.shape_cast %get3A_69 : vector<1x16xf32> to vector<16xf32>
      %get3A_71 = arith.constant 2 : i32
      %get3A_72 = arith.index_cast %get3A_71 : i32 to index
      %get3A_73 = arith.constant 0 : index
      %get3A_74 = tpu.vector_load %arg10[%get3A_72, %get3A_73] {strides = array<i32>} : memref<5x32xf32, #tpu.memory_space<vmem>>, vector<1x16xf32>,
      %get3A_75 = vector.shape_cast %get3A_74 : vector<1x16xf32> to vector<16xf32>
      %get3A_76 = arith.constant 2 : i32
      %get3A_77 = arith.index_cast %get3A_76 : i32 to index
      %get3A_78 = arith.constant 16 : index
      %get3A_79 = tpu.vector_load %arg10[%get3A_77, %get3A_78] {strides = array<i32>} : memref<5x32xf32, #tpu.memory_space<vmem>>, vector<1x16xf32>,
      %get3A_80 = vector.shape_cast %get3A_79 : vector<1x16xf32> to vector<16xf32>
      %get3A_81 = arith.constant 3 : i32
      %get3A_82 = arith.index_cast %get3A_81 : i32 to index
      %get3A_83 = arith.constant 0 : index
      %get3A_84 = tpu.vector_load %arg10[%get3A_82, %get3A_83] {strides = array<i32>} : memref<5x32xf32, #tpu.memory_space<vmem>>, vector<1x16xf32>,
      %get3A_85 = vector.shape_cast %get3A_84 : vector<1x16xf32> to vector<16xf32>
      %get3A_86 = arith.constant 3 : i32
      %get3A_87 = arith.index_cast %get3A_86 : i32 to index
      %get3A_88 = arith.constant 16 : index
      %get3A_89 = tpu.vector_load %arg10[%get3A_87, %get3A_88] {strides = array<i32>} : memref<5x32xf32, #tpu.memory_space<vmem>>, vector<1x16xf32>,
      %get3A_90 = vector.shape_cast %get3A_89 : vector<1x16xf32> to vector<16xf32>
      %swap3A = arith.constant 0 : i32
      %swap3A_91 = arith.index_cast %swap3A : i32 to index
      %swap3A_92 = arith.constant 0 : index
      %swap3A_93 = tpu.vector_load %arg11[%swap3A_91, %swap3A_92] {strides = array<i32>} : memref<16x128xf32, #tpu.memory_space<vmem>>, vector<1x16xf32>,
      %swap3A_94 = vector.shape_cast %swap3A_93 : vector<1x16xf32> to vector<16xf32>
      %swap3A_95 = vector.shape_cast %get3A_5 : vector<16xf32> to vector<1x16xf32>
      tpu.vector_store %arg11[%swap3A_91, %swap3A_92], %swap3A_95 {strides = array<i32>} : memref<16x128xf32, #tpu.memory_space<vmem>>, vector<1x16xf32>,
      %swap3A_96 = arith.constant 0 : i32
      %swap3A_97 = arith.index_cast %swap3A_96 : i32 to index
      %swap3A_98 = arith.constant 16 : index
      %swap3A_99 = tpu.vector_load %arg11[%swap3A_97, %swap3A_98] {strides = array<i32>} : memref<16x128xf32, #tpu.memory_space<vmem>>, vector<1x16xf32>,
      %swap3A_100 = vector.shape_cast %swap3A_99 : vector<1x16xf32> to vector<16xf32>
      %swap3A_101 = vector.shape_cast %get3A_10 : vector<16xf32> to vector<1x16xf32>
      tpu.vector_store %arg11[%swap3A_97, %swap3A_98], %swap3A_101 {strides = array<i32>} : memref<16x128xf32, #tpu.memory_space<vmem>>, vector<1x16xf32>,
      %swap3A_102 = arith.constant 0 : i32
      %swap3A_103 = arith.index_cast %swap3A_102 : i32 to index
      %swap3A_104 = arith.constant 32 : index
      %swap3A_105 = tpu.vector_load %arg11[%swap3A_103, %swap3A_104] {strides = array<i32>} : memref<16x128xf32, #tpu.memory_space<vmem>>, vector<1x16xf32>,
      %swap3A_106 = vector.shape_cast %swap3A_105 : vector<1x16xf32> to vector<16xf32>
      %swap3A_107 = vector.shape_cast %get3A_15 : vector<16xf32> to vector<1x16xf32>
      tpu.vector_store %arg11[%swap3A_103, %swap3A_104], %swap3A_107 {strides = array<i32>} : memref<16x128xf32, #tpu.memory_space<vmem>>, vector<1x16xf32>,
      %swap3A_108 = arith.constant 0 : i32
      %swap3A_109 = arith.index_cast %swap3A_108 : i32 to index
      %swap3A_110 = arith.constant 48 : index
      %swap3A_111 = tpu.vector_load %arg11[%swap3A_109, %swap3A_110] {strides = array<i32>} : memref<16x128xf32, #tpu.memory_space<vmem>>, vector<1x16xf32>,
      %swap3A_112 = vector.shape_cast %swap3A_111 : vector<1x16xf32> to vector<16xf32>
      %swap3A_113 = vector.shape_cast %get3A_20 : vector<16xf32> to vector<1x16xf32>
      tpu.vector_store %arg11[%swap3A_109, %swap3A_110], %swap3A_113 {strides = array<i32>} : memref<16x128xf32, #tpu.memory_space<vmem>>, vector<1x16xf32>,
      %swap3A_114 = arith.constant 0 : i32
      %swap3A_115 = arith.index_cast %swap3A_114 : i32 to index
      %swap3A_116 = arith.constant 64 : index
      %swap3A_117 = tpu.vector_load %arg11[%swap3A_115, %swap3A_116] {strides = array<i32>} : memref<16x128xf32, #tpu.memory_space<vmem>>, vector<1x16xf32>,
      %swap3A_118 = vector.shape_cast %swap3A_117 : vector<1x16xf32> to vector<16xf32>
      %swap3A_119 = vector.shape_cast %get3A_25 : vector<16xf32> to vector<1x16xf32>
      tpu.vector_store %arg11[%swap3A_115, %swap3A_116], %swap3A_119 {strides = array<i32>} : memref<16x128xf32, #tpu.memory_space<vmem>>, vector<1x16xf32>,
      %swap3A_120 = arith.constant 0 : i32
      %swap3A_121 = arith.index_cast %swap3A_120 : i32 to index
      %swap3A_122 = arith.constant 80 : index
      %swap3A_123 = tpu.vector_load %arg11[%swap3A_121, %swap3A_122] {strides = array<i32>} : memref<16x128xf32, #tpu.memory_space<vmem>>, vector<1x16xf32>,
      %swap3A_124 = vector.shape_cast %swap3A_123 : vector<1x16xf32> to vector<16xf32>
      %swap3A_125 = vector.shape_cast %get3A_30 : vector<16xf32> to vector<1x16xf32>
      tpu.vector_store %arg11[%swap3A_121, %swap3A_122], %swap3A_125 {strides = array<i32>} : memref<16x128xf32, #tpu.memory_space<vmem>>, vector<1x16xf32>,
      %swap3A_126 = arith.constant 0 : i32
      %swap3A_127 = arith.index_cast %swap3A_126 : i32 to index
      %swap3A_128 = arith.constant 96 : index
      %swap3A_129 = tpu.vector_load %arg11[%swap3A_127, %swap3A_128] {strides = array<i32>} : memref<16x128xf32, #tpu.memory_space<vmem>>, vector<1x16xf32>,
      %swap3A_130 = vector.shape_cast %swap3A_129 : vector<1x16xf32> to vector<16xf32>
      %swap3A_131 = vector.shape_cast %get3A_55 : vector<16xf32> to vector<1x16xf32>
      tpu.vector_store %arg11[%swap3A_127, %swap3A_128], %swap3A_131 {strides = array<i32>} : memref<16x128xf32, #tpu.memory_space<vmem>>, vector<1x16xf32>,
      %swap3A_132 = arith.constant 0 : i32
      %swap3A_133 = arith.index_cast %swap3A_132 : i32 to index
      %swap3A_134 = arith.constant 112 : index
      %swap3A_135 = tpu.vector_load %arg11[%swap3A_133, %swap3A_134] {strides = array<i32>} : memref<16x128xf32, #tpu.memory_space<vmem>>, vector<1x16xf32>,
      %swap3A_136 = vector.shape_cast %swap3A_135 : vector<1x16xf32> to vector<16xf32>
      %swap3A_137 = vector.shape_cast %get3A_60 : vector<16xf32> to vector<1x16xf32>
      tpu.vector_store %arg11[%swap3A_133, %swap3A_134], %swap3A_137 {strides = array<i32>} : memref<16x128xf32, #tpu.memory_space<vmem>>, vector<1x16xf32>,
      %swap3A_138 = arith.constant 1 : i32
      %swap3A_139 = arith.index_cast %swap3A_138 : i32 to index
      %swap3A_140 = arith.constant 0 : index
      %swap3A_141 = tpu.vector_load %arg11[%swap3A_139, %swap3A_140] {strides = array<i32>} : memref<16x128xf32, #tpu.memory_space<vmem>>, vector<1x16xf32>,
      %swap3A_142 = vector.shape_cast %swap3A_141 : vector<1x16xf32> to vector<16xf32>
      %swap3A_143 = vector.shape_cast %get3A_5 : vector<16xf32> to vector<1x16xf32>
      tpu.vector_store %arg11[%swap3A_139, %swap3A_140], %swap3A_143 {strides = array<i32>} : memref<16x128xf32, #tpu.memory_space<vmem>>, vector<1x16xf32>,
      %swap3A_144 = arith.constant 1 : i32
      %swap3A_145 = arith.index_cast %swap3A_144 : i32 to index
      %swap3A_146 = arith.constant 16 : index
      %swap3A_147 = tpu.vector_load %arg11[%swap3A_145, %swap3A_146] {strides = array<i32>} : memref<16x128xf32, #tpu.memory_space<vmem>>, vector<1x16xf32>,
      %swap3A_148 = vector.shape_cast %swap3A_147 : vector<1x16xf32> to vector<16xf32>
      %swap3A_149 = vector.shape_cast %get3A_10 : vector<16xf32> to vector<1x16xf32>
      tpu.vector_store %arg11[%swap3A_145, %swap3A_146], %swap3A_149 {strides = array<i32>} : memref<16x128xf32, #tpu.memory_space<vmem>>, vector<1x16xf32>,
      %swap3A_150 = arith.constant 1 : i32
      %swap3A_151 = arith.index_cast %swap3A_150 : i32 to index
      %swap3A_152 = arith.constant 32 : index
      %swap3A_153 = tpu.vector_load %arg11[%swap3A_151, %swap3A_152] {strides = array<i32>} : memref<16x128xf32, #tpu.memory_space<vmem>>, vector<1x16xf32>,
      %swap3A_154 = vector.shape_cast %swap3A_153 : vector<1x16xf32> to vector<16xf32>
      %swap3A_155 = vector.shape_cast %get3A_15 : vector<16xf32> to vector<1x16xf32>
      tpu.vector_store %arg11[%swap3A_151, %swap3A_152], %swap3A_155 {strides = array<i32>} : memref<16x128xf32, #tpu.memory_space<vmem>>, vector<1x16xf32>,
      %swap3A_156 = arith.constant 1 : i32
      %swap3A_157 = arith.index_cast %swap3A_156 : i32 to index
      %swap3A_158 = arith.constant 48 : index
      %swap3A_159 = tpu.vector_load %arg11[%swap3A_157, %swap3A_158] {strides = array<i32>} : memref<16x128xf32, #tpu.memory_space<vmem>>, vector<1x16xf32>,
      %swap3A_160 = vector.shape_cast %swap3A_159 : vector<1x16xf32> to vector<16xf32>
      %swap3A_161 = vector.shape_cast %get3A_20 : vector<16xf32> to vector<1x16xf32>
      tpu.vector_store %arg11[%swap3A_157, %swap3A_158], %swap3A_161 {strides = array<i32>} : memref<16x128xf32, #tpu.memory_space<vmem>>, vector<1x16xf32>,
      %swap3A_162 = arith.constant 1 : i32
      %swap3A_163 = arith.index_cast %swap3A_162 : i32 to index
      %swap3A_164 = arith.constant 64 : index
      %swap3A_165 = tpu.vector_load %arg11[%swap3A_163, %swap3A_164] {strides = array<i32>} : memref<16x128xf32, #tpu.memory_space<vmem>>, vector<1x16xf32>,
      %swap3A_166 = vector.shape_cast %swap3A_165 : vector<1x16xf32> to vector<16xf32>
      %swap3A_167 = vector.shape_cast %get3A_35 : vector<16xf32> to vector<1x16xf32>
      tpu.vector_store %arg11[%swap3A_163, %swap3A_164], %swap3A_167 {strides = array<i32>} : memref<16x128xf32, #tpu.memory_space<vmem>>, vector<1x16xf32>,
      %swap3A_168 = arith.constant 1 : i32
      %swap3A_169 = arith.index_cast %swap3A_168 : i32 to index
      %swap3A_170 = arith.constant 80 : index
      %swap3A_171 = tpu.vector_load %arg11[%swap3A_169, %swap3A_170] {strides = array<i32>} : memref<16x128xf32, #tpu.memory_space<vmem>>, vector<1x16xf32>,
      %swap3A_172 = vector.shape_cast %swap3A_171 : vector<1x16xf32> to vector<16xf32>
      %swap3A_173 = vector.shape_cast %get3A_40 : vector<16xf32> to vector<1x16xf32>
      tpu.vector_store %arg11[%swap3A_169, %swap3A_170], %swap3A_173 {strides = array<i32>} : memref<16x128xf32, #tpu.memory_space<vmem>>, vector<1x16xf32>,
      %swap3A_174 = arith.constant 1 : i32
      %swap3A_175 = arith.index_cast %swap3A_174 : i32 to index
      %swap3A_176 = arith.constant 96 : index
      %swap3A_177 = tpu.vector_load %arg11[%swap3A_175, %swap3A_176] {strides = array<i32>} : memref<16x128xf32, #tpu.memory_space<vmem>>, vector<1x16xf32>,
      %swap3A_178 = vector.shape_cast %swap3A_177 : vector<1x16xf32> to vector<16xf32>
      %swap3A_179 = vector.shape_cast %get3A_65 : vector<16xf32> to vector<1x16xf32>
      tpu.vector_store %arg11[%swap3A_175, %swap3A_176], %swap3A_179 {strides = array<i32>} : memref<16x128xf32, #tpu.memory_space<vmem>>, vector<1x16xf32>,
      %swap3A_180 = arith.constant 1 : i32
      %swap3A_181 = arith.index_cast %swap3A_180 : i32 to index
      %swap3A_182 = arith.constant 112 : index
      %swap3A_183 = tpu.vector_load %arg11[%swap3A_181, %swap3A_182] {strides = array<i32>} : memref<16x128xf32, #tpu.memory_space<vmem>>, vector<1x16xf32>,
      %swap3A_184 = vector.shape_cast %swap3A_183 : vector<1x16xf32> to vector<16xf32>
      %swap3A_185 = vector.shape_cast %get3A_70 : vector<16xf32> to vector<1x16xf32>
      tpu.vector_store %arg11[%swap3A_181, %swap3A_182], %swap3A_185 {strides = array<i32>} : memref<16x128xf32, #tpu.memory_space<vmem>>, vector<1x16xf32>,
      %swap3A_186 = arith.constant 2 : i32
      %swap3A_187 = arith.index_cast %swap3A_186 : i32 to index
      %swap3A_188 = arith.constant 0 : index
      %swap3A_189 = tpu.vector_load %arg11[%swap3A_187, %swap3A_188] {strides = array<i32>} : memref<16x128xf32, #tpu.memory_space<vmem>>, vector<1x16xf32>,
      %swap3A_190 = vector.shape_cast %swap3A_189 : vector<1x16xf32> to vector<16xf32>
      %swap3A_191 = vector.shape_cast %get3A_5 : vector<16xf32> to vector<1x16xf32>
      tpu.vector_store %arg11[%swap3A_187, %swap3A_188], %swap3A_191 {strides = array<i32>} : memref<16x128xf32, #tpu.memory_space<vmem>>, vector<1x16xf32>,
      %swap3A_192 = arith.constant 2 : i32
      %swap3A_193 = arith.index_cast %swap3A_192 : i32 to index
      %swap3A_194 = arith.constant 16 : index
      %swap3A_195 = tpu.vector_load %arg11[%swap3A_193, %swap3A_194] {strides = array<i32>} : memref<16x128xf32, #tpu.memory_space<vmem>>, vector<1x16xf32>,
      %swap3A_196 = vector.shape_cast %swap3A_195 : vector<1x16xf32> to vector<16xf32>
      %swap3A_197 = vector.shape_cast %get3A_10 : vector<16xf32> to vector<1x16xf32>
      tpu.vector_store %arg11[%swap3A_193, %swap3A_194], %swap3A_197 {strides = array<i32>} : memref<16x128xf32, #tpu.memory_space<vmem>>, vector<1x16xf32>,
      %swap3A_198 = arith.constant 2 : i32
      %swap3A_199 = arith.index_cast %swap3A_198 : i32 to index
      %swap3A_200 = arith.constant 32 : index
      %swap3A_201 = tpu.vector_load %arg11[%swap3A_199, %swap3A_200] {strides = array<i32>} : memref<16x128xf32, #tpu.memory_space<vmem>>, vector<1x16xf32>,
      %swap3A_202 = vector.shape_cast %swap3A_201 : vector<1x16xf32> to vector<16xf32>
      %swap3A_203 = vector.shape_cast %get3A_15 : vector<16xf32> to vector<1x16xf32>
      tpu.vector_store %arg11[%swap3A_199, %swap3A_200], %swap3A_203 {strides = array<i32>} : memref<16x128xf32, #tpu.memory_space<vmem>>, vector<1x16xf32>,
      %swap3A_204 = arith.constant 2 : i32
      %swap3A_205 = arith.index_cast %swap3A_204 : i32 to index
      %swap3A_206 = arith.constant 48 : index
      %swap3A_207 = tpu.vector_load %arg11[%swap3A_205, %swap3A_206] {strides = array<i32>} : memref<16x128xf32, #tpu.memory_space<vmem>>, vector<1x16xf32>,
      %swap3A_208 = vector.shape_cast %swap3A_207 : vector<1x16xf32> to vector<16xf32>
      %swap3A_209 = vector.shape_cast %get3A_20 : vector<16xf32> to vector<1x16xf32>
      tpu.vector_store %arg11[%swap3A_205, %swap3A_206], %swap3A_209 {strides = array<i32>} : memref<16x128xf32, #tpu.memory_space<vmem>>, vector<1x16xf32>,
      %swap3A_210 = arith.constant 2 : i32
      %swap3A_211 = arith.index_cast %swap3A_210 : i32 to index
      %swap3A_212 = arith.constant 64 : index
      %swap3A_213 = tpu.vector_load %arg11[%swap3A_211, %swap3A_212] {strides = array<i32>} : memref<16x128xf32, #tpu.memory_space<vmem>>, vector<1x16xf32>,
      %swap3A_214 = vector.shape_cast %swap3A_213 : vector<1x16xf32> to vector<16xf32>
      %swap3A_215 = vector.shape_cast %get3A_45 : vector<16xf32> to vector<1x16xf32>
      tpu.vector_store %arg11[%swap3A_211, %swap3A_212], %swap3A_215 {strides = array<i32>} : memref<16x128xf32, #tpu.memory_space<vmem>>, vector<1x16xf32>,
      %swap3A_216 = arith.constant 2 : i32
      %swap3A_217 = arith.index_cast %swap3A_216 : i32 to index
      %swap3A_218 = arith.constant 80 : index
      %swap3A_219 = tpu.vector_load %arg11[%swap3A_217, %swap3A_218] {strides = array<i32>} : memref<16x128xf32, #tpu.memory_space<vmem>>, vector<1x16xf32>,
      %swap3A_220 = vector.shape_cast %swap3A_219 : vector<1x16xf32> to vector<16xf32>
      %swap3A_221 = vector.shape_cast %get3A_50 : vector<16xf32> to vector<1x16xf32>
      tpu.vector_store %arg11[%swap3A_217, %swap3A_218], %swap3A_221 {strides = array<i32>} : memref<16x128xf32, #tpu.memory_space<vmem>>, vector<1x16xf32>,
      %swap3A_222 = arith.constant 2 : i32
      %swap3A_223 = arith.index_cast %swap3A_222 : i32 to index
      %swap3A_224 = arith.constant 96 : index
      %swap3A_225 = tpu.vector_load %arg11[%swap3A_223, %swap3A_224] {strides = array<i32>} : memref<16x128xf32, #tpu.memory_space<vmem>>, vector<1x16xf32>,
      %swap3A_226 = vector.shape_cast %swap3A_225 : vector<1x16xf32> to vector<16xf32>
      %swap3A_227 = vector.shape_cast %get3A_75 : vector<16xf32> to vector<1x16xf32>
      tpu.vector_store %arg11[%swap3A_223, %swap3A_224], %swap3A_227 {strides = array<i32>} : memref<16x128xf32, #tpu.memory_space<vmem>>, vector<1x16xf32>,
      %swap3A_228 = arith.constant 2 : i32
      %swap3A_229 = arith.index_cast %swap3A_228 : i32 to index
      %swap3A_230 = arith.constant 112 : index
      %swap3A_231 = tpu.vector_load %arg11[%swap3A_229, %swap3A_230] {strides = array<i32>} : memref<16x128xf32, #tpu.memory_space<vmem>>, vector<1x16xf32>,
      %swap3A_232 = vector.shape_cast %swap3A_231 : vector<1x16xf32> to vector<16xf32>
      %swap3A_233 = vector.shape_cast %get3A_80 : vector<16xf32> to vector<1x16xf32>
      tpu.vector_store %arg11[%swap3A_229, %swap3A_230], %swap3A_233 {strides = array<i32>} : memref<16x128xf32, #tpu.memory_space<vmem>>, vector<1x16xf32>,
      %swap3A_234 = arith.constant 3 : i32
      %swap3A_235 = arith.index_cast %swap3A_234 : i32 to index
      %swap3A_236 = arith.constant 0 : index
      %swap3A_237 = tpu.vector_load %arg11[%swap3A_235, %swap3A_236] {strides = array<i32>} : memref<16x128xf32, #tpu.memory_space<vmem>>, vector<1x16xf32>,
      %swap3A_238 = vector.shape_cast %swap3A_237 : vector<1x16xf32> to vector<16xf32>
      %swap3A_239 = vector.shape_cast %get3A_5 : vector<16xf32> to vector<1x16xf32>
      tpu.vector_store %arg11[%swap3A_235, %swap3A_236], %swap3A_239 {strides = array<i32>} : memref<16x128xf32, #tpu.memory_space<vmem>>, vector<1x16xf32>,
      %swap3A_240 = arith.constant 3 : i32
      %swap3A_241 = arith.index_cast %swap3A_240 : i32 to index
      %swap3A_242 = arith.constant 16 : index
      %swap3A_243 = tpu.vector_load %arg11[%swap3A_241, %swap3A_242] {strides = array<i32>} : memref<16x128xf32, #tpu.memory_space<vmem>>, vector<1x16xf32>,
      %swap3A_244 = vector.shape_cast %swap3A_243 : vector<1x16xf32> to vector<16xf32>
      %swap3A_245 = vector.shape_cast %get3A_10 : vector<16xf32> to vector<1x16xf32>
      tpu.vector_store %arg11[%swap3A_241, %swap3A_242], %swap3A_245 {strides = array<i32>} : memref<16x128xf32, #tpu.memory_space<vmem>>, vector<1x16xf32>,
      %swap3A_246 = arith.constant 3 : i32
      %swap3A_247 = arith.index_cast %swap3A_246 : i32 to index
      %swap3A_248 = arith.constant 32 : index
      %swap3A_249 = tpu.vector_load %arg11[%swap3A_247, %swap3A_248] {strides = array<i32>} : memref<16x128xf32, #tpu.memory_space<vmem>>, vector<1x16xf32>,
      %swap3A_250 = vector.shape_cast %swap3A_249 : vector<1x16xf32> to vector<16xf32>
      %swap3A_251 = vector.shape_cast %get3A_15 : vector<16xf32> to vector<1x16xf32>
      tpu.vector_store %arg11[%swap3A_247, %swap3A_248], %swap3A_251 {strides = array<i32>} : memref<16x128xf32, #tpu.memory_space<vmem>>, vector<1x16xf32>,
      %swap3A_252 = arith.constant 3 : i32
      %swap3A_253 = arith.index_cast %swap3A_252 : i32 to index
      %swap3A_254 = arith.constant 48 : index
      %swap3A_255 = tpu.vector_load %arg11[%swap3A_253, %swap3A_254] {strides = array<i32>} : memref<16x128xf32, #tpu.memory_space<vmem>>, vector<1x16xf32>,
      %swap3A_256 = vector.shape_cast %swap3A_255 : vector<1x16xf32> to vector<16xf32>
      %swap3A_257 = vector.shape_cast %get3A_20 : vector<16xf32> to vector<1x16xf32>
      tpu.vector_store %arg11[%swap3A_253, %swap3A_254], %swap3A_257 {strides = array<i32>} : memref<16x128xf32, #tpu.memory_space<vmem>>, vector<1x16xf32>,
      %swap3A_258 = arith.constant 3 : i32
      %swap3A_259 = arith.index_cast %swap3A_258 : i32 to index
      %swap3A_260 = arith.constant 64 : index
      %swap3A_261 = tpu.vector_load %arg11[%swap3A_259, %swap3A_260] {strides = array<i32>} : memref<16x128xf32, #tpu.memory_space<vmem>>, vector<1x16xf32>,
      %swap3A_262 = vector.shape_cast %swap3A_261 : vector<1x16xf32> to vector<16xf32>
      %swap3A_263 = vector.shape_cast %get3A_25 : vector<16xf32> to vector<1x16xf32>
      tpu.vector_store %arg11[%swap3A_259, %swap3A_260], %swap3A_263 {strides = array<i32>} : memref<16x128xf32, #tpu.memory_space<vmem>>, vector<1x16xf32>,
      %swap3A_264 = arith.constant 3 : i32
      %swap3A_265 = arith.index_cast %swap3A_264 : i32 to index
      %swap3A_266 = arith.constant 80 : index
      %swap3A_267 = tpu.vector_load %arg11[%swap3A_265, %swap3A_266] {strides = array<i32>} : memref<16x128xf32, #tpu.memory_space<vmem>>, vector<1x16xf32>,
      %swap3A_268 = vector.shape_cast %swap3A_267 : vector<1x16xf32> to vector<16xf32>
      %swap3A_269 = vector.shape_cast %get3A_30 : vector<16xf32> to vector<1x16xf32>
      tpu.vector_store %arg11[%swap3A_265, %swap3A_266], %swap3A_269 {strides = array<i32>} : memref<16x128xf32, #tpu.memory_space<vmem>>, vector<1x16xf32>,
      %swap3A_270 = arith.constant 3 : i32
      %swap3A_271 = arith.index_cast %swap3A_270 : i32 to index
      %swap3A_272 = arith.constant 96 : index
      %swap3A_273 = tpu.vector_load %arg11[%swap3A_271, %swap3A_272] {strides = array<i32>} : memref<16x128xf32, #tpu.memory_space<vmem>>, vector<1x16xf32>,
      %swap3A_274 = vector.shape_cast %swap3A_273 : vector<1x16xf32> to vector<16xf32>
      %swap3A_275 = vector.shape_cast %get3A_85 : vector<16xf32> to vector<1x16xf32>
      tpu.vector_store %arg11[%swap3A_271, %swap3A_272], %swap3A_275 {strides = array<i32>} : memref<16x128xf32, #tpu.memory_space<vmem>>, vector<1x16xf32>,
      %swap3A_276 = arith.constant 3 : i32
      %swap3A_277 = arith.index_cast %swap3A_276 : i32 to index
      %swap3A_278 = arith.constant 112 : index
      %swap3A_279 = tpu.vector_load %arg11[%swap3A_277, %swap3A_278] {strides = array<i32>} : memref<16x128xf32, #tpu.memory_space<vmem>>, vector<1x16xf32>,
      %swap3A_280 = vector.shape_cast %swap3A_279 : vector<1x16xf32> to vector<16xf32>
      %swap3A_281 = vector.shape_cast %get3A_90 : vector<16xf32> to vector<1x16xf32>
      tpu.vector_store %arg11[%swap3A_277, %swap3A_278], %swap3A_281 {strides = array<i32>} : memref<16x128xf32, #tpu.memory_space<vmem>>, vector<1x16xf32>,
      %swap3A_282 = arith.constant 4 : i32
      %swap3A_283 = arith.index_cast %swap3A_282 : i32 to index
      %swap3A_284 = arith.constant 0 : index
      %swap3A_285 = tpu.vector_load %arg11[%swap3A_283, %swap3A_284] {strides = array<i32>} : memref<16x128xf32, #tpu.memory_space<vmem>>, vector<1x16xf32>,
      %swap3A_286 = vector.shape_cast %swap3A_285 : vector<1x16xf32> to vector<16xf32>
      %swap3A_287 = vector.shape_cast %get3A_5 : vector<16xf32> to vector<1x16xf32>
      tpu.vector_store %arg11[%swap3A_283, %swap3A_284], %swap3A_287 {strides = array<i32>} : memref<16x128xf32, #tpu.memory_space<vmem>>, vector<1x16xf32>,
      %swap3A_288 = arith.constant 4 : i32
      %swap3A_289 = arith.index_cast %swap3A_288 : i32 to index
      %swap3A_290 = arith.constant 16 : index
      %swap3A_291 = tpu.vector_load %arg11[%swap3A_289, %swap3A_290] {strides = array<i32>} : memref<16x128xf32, #tpu.memory_space<vmem>>, vector<1x16xf32>,
      %swap3A_292 = vector.shape_cast %swap3A_291 : vector<1x16xf32> to vector<16xf32>
      %swap3A_293 = vector.shape_cast %get3A_10 : vector<16xf32> to vector<1x16xf32>
      tpu.vector_store %arg11[%swap3A_289, %swap3A_290], %swap3A_293 {strides = array<i32>} : memref<16x128xf32, #tpu.memory_space<vmem>>, vector<1x16xf32>,
      %swap3A_294 = arith.constant 4 : i32
      %swap3A_295 = arith.index_cast %swap3A_294 : i32 to index
      %swap3A_296 = arith.constant 32 : index
      %swap3A_297 = tpu.vector_load %arg11[%swap3A_295, %swap3A_296] {strides = array<i32>} : memref<16x128xf32, #tpu.memory_space<vmem>>, vector<1x16xf32>,
      %swap3A_298 = vector.shape_cast %swap3A_297 : vector<1x16xf32> to vector<16xf32>
      %swap3A_299 = vector.shape_cast %get3A_15 : vector<16xf32> to vector<1x16xf32>
      tpu.vector_store %arg11[%swap3A_295, %swap3A_296], %swap3A_299 {strides = array<i32>} : memref<16x128xf32, #tpu.memory_space<vmem>>, vector<1x16xf32>,
      %swap3A_300 = arith.constant 4 : i32
      %swap3A_301 = arith.index_cast %swap3A_300 : i32 to index
      %swap3A_302 = arith.constant 48 : index
      %swap3A_303 = tpu.vector_load %arg11[%swap3A_301, %swap3A_302] {strides = array<i32>} : memref<16x128xf32, #tpu.memory_space<vmem>>, vector<1x16xf32>,
      %swap3A_304 = vector.shape_cast %swap3A_303 : vector<1x16xf32> to vector<16xf32>
      %swap3A_305 = vector.shape_cast %get3A_20 : vector<16xf32> to vector<1x16xf32>
      tpu.vector_store %arg11[%swap3A_301, %swap3A_302], %swap3A_305 {strides = array<i32>} : memref<16x128xf32, #tpu.memory_space<vmem>>, vector<1x16xf32>,
      %swap3A_306 = arith.constant 4 : i32
      %swap3A_307 = arith.index_cast %swap3A_306 : i32 to index
      %swap3A_308 = arith.constant 64 : index
      %swap3A_309 = tpu.vector_load %arg11[%swap3A_307, %swap3A_308] {strides = array<i32>} : memref<16x128xf32, #tpu.memory_space<vmem>>, vector<1x16xf32>,
      %swap3A_310 = vector.shape_cast %swap3A_309 : vector<1x16xf32> to vector<16xf32>
      %swap3A_311 = vector.shape_cast %get3A_35 : vector<16xf32> to vector<1x16xf32>
      tpu.vector_store %arg11[%swap3A_307, %swap3A_308], %swap3A_311 {strides = array<i32>} : memref<16x128xf32, #tpu.memory_space<vmem>>, vector<1x16xf32>,
      %swap3A_312 = arith.constant 4 : i32
      %swap3A_313 = arith.index_cast %swap3A_312 : i32 to index
      %swap3A_314 = arith.constant 80 : index
      %swap3A_315 = tpu.vector_load %arg11[%swap3A_313, %swap3A_314] {strides = array<i32>} : memref<16x128xf32, #tpu.memory_space<vmem>>, vector<1x16xf32>,
      %swap3A_316 = vector.shape_cast %swap3A_315 : vector<1x16xf32> to vector<16xf32>
      %swap3A_317 = vector.shape_cast %get3A_40 : vector<16xf32> to vector<1x16xf32>
      tpu.vector_store %arg11[%swap3A_313, %swap3A_314], %swap3A_317 {strides = array<i32>} : memref<16x128xf32, #tpu.memory_space<vmem>>, vector<1x16xf32>,
      %swap3A_318 = arith.constant 4 : i32
      %swap3A_319 = arith.index_cast %swap3A_318 : i32 to index
      %swap3A_320 = arith.constant 96 : index
      %swap3A_321 = tpu.vector_load %arg11[%swap3A_319, %swap3A_320] {strides = array<i32>} : memref<16x128xf32, #tpu.memory_space<vmem>>, vector<1x16xf32>,
      %swap3A_322 = vector.shape_cast %swap3A_321 : vector<1x16xf32> to vector<16xf32>
      %swap3A_323 = vector.shape_cast %get3A_55 : vector<16xf32> to vector<1x16xf32>
      tpu.vector_store %arg11[%swap3A_319, %swap3A_320], %swap3A_323 {strides = array<i32>} : memref<16x128xf32, #tpu.memory_space<vmem>>, vector<1x16xf32>,
      %swap3A_324 = arith.constant 4 : i32
      %swap3A_325 = arith.index_cast %swap3A_324 : i32 to index
      %swap3A_326 = arith.constant 112 : index
      %swap3A_327 = tpu.vector_load %arg11[%swap3A_325, %swap3A_326] {strides = array<i32>} : memref<16x128xf32, #tpu.memory_space<vmem>>, vector<1x16xf32>,
      %swap3A_328 = vector.shape_cast %swap3A_327 : vector<1x16xf32> to vector<16xf32>
      %swap3A_329 = vector.shape_cast %get3A_60 : vector<16xf32> to vector<1x16xf32>
      tpu.vector_store %arg11[%swap3A_325, %swap3A_326], %swap3A_329 {strides = array<i32>} : memref<16x128xf32, #tpu.memory_space<vmem>>, vector<1x16xf32>,
      %swap3A_330 = arith.constant 5 : i32
      %swap3A_331 = arith.index_cast %swap3A_330 : i32 to index
      %swap3A_332 = arith.constant 0 : index
      %swap3A_333 = tpu.vector_load %arg11[%swap3A_331, %swap3A_332] {strides = array<i32>} : memref<16x128xf32, #tpu.memory_space<vmem>>, vector<1x16xf32>,
      %swap3A_334 = vector.shape_cast %swap3A_333 : vector<1x16xf32> to vector<16xf32>
      %swap3A_335 = vector.shape_cast %get3A_5 : vector<16xf32> to vector<1x16xf32>
      tpu.vector_store %arg11[%swap3A_331, %swap3A_332], %swap3A_335 {strides = array<i32>} : memref<16x128xf32, #tpu.memory_space<vmem>>, vector<1x16xf32>,
      %swap3A_336 = arith.constant 5 : i32
      %swap3A_337 = arith.index_cast %swap3A_336 : i32 to index
      %swap3A_338 = arith.constant 16 : index
      %swap3A_339 = tpu.vector_load %arg11[%swap3A_337, %swap3A_338] {strides = array<i32>} : memref<16x128xf32, #tpu.memory_space<vmem>>, vector<1x16xf32>,
      %swap3A_340 = vector.shape_cast %swap3A_339 : vector<1x16xf32> to vector<16xf32>
      %swap3A_341 = vector.shape_cast %get3A_10 : vector<16xf32> to vector<1x16xf32>
      tpu.vector_store %arg11[%swap3A_337, %swap3A_338], %swap3A_341 {strides = array<i32>} : memref<16x128xf32, #tpu.memory_space<vmem>>, vector<1x16xf32>,
      %swap3A_342 = arith.constant 5 : i32
      %swap3A_343 = arith.index_cast %swap3A_342 : i32 to index
      %swap3A_344 = arith.constant 32 : index
      %swap3A_345 = tpu.vector_load %arg11[%swap3A_343, %swap3A_344] {strides = array<i32>} : memref<16x128xf32, #tpu.memory_space<vmem>>, vector<1x16xf32>,
      %swap3A_346 = vector.shape_cast %swap3A_345 : vector<1x16xf32> to vector<16xf32>
      %swap3A_347 = vector.shape_cast %get3A_15 : vector<16xf32> to vector<1x16xf32>
      tpu.vector_store %arg11[%swap3A_343, %swap3A_344], %swap3A_347 {strides = array<i32>} : memref<16x128xf32, #tpu.memory_space<vmem>>, vector<1x16xf32>,
      %swap3A_348 = arith.constant 5 : i32
      %swap3A_349 = arith.index_cast %swap3A_348 : i32 to index
      %swap3A_350 = arith.constant 48 : index
      %swap3A_351 = tpu.vector_load %arg11[%swap3A_349, %swap3A_350] {strides = array<i32>} : memref<16x128xf32, #tpu.memory_space<vmem>>, vector<1x16xf32>,
      %swap3A_352 = vector.shape_cast %swap3A_351 : vector<1x16xf32> to vector<16xf32>
      %swap3A_353 = vector.shape_cast %get3A_20 : vector<16xf32> to vector<1x16xf32>
      tpu.vector_store %arg11[%swap3A_349, %swap3A_350], %swap3A_353 {strides = array<i32>} : memref<16x128xf32, #tpu.memory_space<vmem>>, vector<1x16xf32>,
      %swap3A_354 = arith.constant 5 : i32
      %swap3A_355 = arith.index_cast %swap3A_354 : i32 to index
      %swap3A_356 = arith.constant 64 : index
      %swap3A_357 = tpu.vector_load %arg11[%swap3A_355, %swap3A_356] {strides = array<i32>} : memref<16x128xf32, #tpu.memory_space<vmem>>, vector<1x16xf32>,
      %swap3A_358 = vector.shape_cast %swap3A_357 : vector<1x16xf32> to vector<16xf32>
      %swap3A_359 = vector.shape_cast %get3A_45 : vector<16xf32> to vector<1x16xf32>
      tpu.vector_store %arg11[%swap3A_355, %swap3A_356], %swap3A_359 {strides = array<i32>} : memref<16x128xf32, #tpu.memory_space<vmem>>, vector<1x16xf32>,
      %swap3A_360 = arith.constant 5 : i32
      %swap3A_361 = arith.index_cast %swap3A_360 : i32 to index
      %swap3A_362 = arith.constant 80 : index
      %swap3A_363 = tpu.vector_load %arg11[%swap3A_361, %swap3A_362] {strides = array<i32>} : memref<16x128xf32, #tpu.memory_space<vmem>>, vector<1x16xf32>,
      %swap3A_364 = vector.shape_cast %swap3A_363 : vector<1x16xf32> to vector<16xf32>
      %swap3A_365 = vector.shape_cast %get3A_50 : vector<16xf32> to vector<1x16xf32>
      tpu.vector_store %arg11[%swap3A_361, %swap3A_362], %swap3A_365 {strides = array<i32>} : memref<16x128xf32, #tpu.memory_space<vmem>>, vector<1x16xf32>,
      %swap3A_366 = arith.constant 5 : i32
      %swap3A_367 = arith.index_cast %swap3A_366 : i32 to index
      %swap3A_368 = arith.constant 96 : index
      %swap3A_369 = tpu.vector_load %arg11[%swap3A_367, %swap3A_368] {strides = array<i32>} : memref<16x128xf32, #tpu.memory_space<vmem>>, vector<1x16xf32>,
      %swap3A_370 = vector.shape_cast %swap3A_369 : vector<1x16xf32> to vector<16xf32>
      %swap3A_371 = vector.shape_cast %get3A_65 : vector<16xf32> to vector<1x16xf32>
      tpu.vector_store %arg11[%swap3A_367, %swap3A_368], %swap3A_371 {strides = array<i32>} : memref<16x128xf32, #tpu.memory_space<vmem>>, vector<1x16xf32>,
      %swap3A_372 = arith.constant 5 : i32
      %swap3A_373 = arith.index_cast %swap3A_372 : i32 to index
      %swap3A_374 = arith.constant 112 : index
      %swap3A_375 = tpu.vector_load %arg11[%swap3A_373, %swap3A_374] {strides = array<i32>} : memref<16x128xf32, #tpu.memory_space<vmem>>, vector<1x16xf32>,
      %swap3A_376 = vector.shape_cast %swap3A_375 : vector<1x16xf32> to vector<16xf32>
      %swap3A_377 = vector.shape_cast %get3A_70 : vector<16xf32> to vector<1x16xf32>
      tpu.vector_store %arg11[%swap3A_373, %swap3A_374], %swap3A_377 {strides = array<i32>} : memref<16x128xf32, #tpu.memory_space<vmem>>, vector<1x16xf32>,
      %swap3A_378 = arith.constant 6 : i32
      %swap3A_379 = arith.index_cast %swap3A_378 : i32 to index
      %swap3A_380 = arith.constant 0 : index
      %swap3A_381 = tpu.vector_load %arg11[%swap3A_379, %swap3A_380] {strides = array<i32>} : memref<16x128xf32, #tpu.memory_space<vmem>>, vector<1x16xf32>,
      %swap3A_382 = vector.shape_cast %swap3A_381 : vector<1x16xf32> to vector<16xf32>
      %swap3A_383 = vector.shape_cast %get3A_5 : vector<16xf32> to vector<1x16xf32>
      tpu.vector_store %arg11[%swap3A_379, %swap3A_380], %swap3A_383 {strides = array<i32>} : memref<16x128xf32, #tpu.memory_space<vmem>>, vector<1x16xf32>,
      %swap3A_384 = arith.constant 6 : i32
      %swap3A_385 = arith.index_cast %swap3A_384 : i32 to index
      %swap3A_386 = arith.constant 16 : index
      %swap3A_387 = tpu.vector_load %arg11[%swap3A_385, %swap3A_386] {strides = array<i32>} : memref<16x128xf32, #tpu.memory_space<vmem>>, vector<1x16xf32>,
      %swap3A_388 = vector.shape_cast %swap3A_387 : vector<1x16xf32> to vector<16xf32>
      %swap3A_389 = vector.shape_cast %get3A_10 : vector<16xf32> to vector<1x16xf32>
      tpu.vector_store %arg11[%swap3A_385, %swap3A_386], %swap3A_389 {strides = array<i32>} : memref<16x128xf32, #tpu.memory_space<vmem>>, vector<1x16xf32>,
      %swap3A_390 = arith.constant 6 : i32
      %swap3A_391 = arith.index_cast %swap3A_390 : i32 to index
      %swap3A_392 = arith.constant 32 : index
      %swap3A_393 = tpu.vector_load %arg11[%swap3A_391, %swap3A_392] {strides = array<i32>} : memref<16x128xf32, #tpu.memory_space<vmem>>, vector<1x16xf32>,
      %swap3A_394 = vector.shape_cast %swap3A_393 : vector<1x16xf32> to vector<16xf32>
      %swap3A_395 = vector.shape_cast %get3A_15 : vector<16xf32> to vector<1x16xf32>
      tpu.vector_store %arg11[%swap3A_391, %swap3A_392], %swap3A_395 {strides = array<i32>} : memref<16x128xf32, #tpu.memory_space<vmem>>, vector<1x16xf32>,
      %swap3A_396 = arith.constant 6 : i32
      %swap3A_397 = arith.index_cast %swap3A_396 : i32 to index
      %swap3A_398 = arith.constant 48 : index
      %swap3A_399 = tpu.vector_load %arg11[%swap3A_397, %swap3A_398] {strides = array<i32>} : memref<16x128xf32, #tpu.memory_space<vmem>>, vector<1x16xf32>,
      %swap3A_400 = vector.shape_cast %swap3A_399 : vector<1x16xf32> to vector<16xf32>
      %swap3A_401 = vector.shape_cast %get3A_20 : vector<16xf32> to vector<1x16xf32>
      tpu.vector_store %arg11[%swap3A_397, %swap3A_398], %swap3A_401 {strides = array<i32>} : memref<16x128xf32, #tpu.memory_space<vmem>>, vector<1x16xf32>,
      %swap3A_402 = arith.constant 6 : i32
      %swap3A_403 = arith.index_cast %swap3A_402 : i32 to index
      %swap3A_404 = arith.constant 64 : index
      %swap3A_405 = tpu.vector_load %arg11[%swap3A_403, %swap3A_404] {strides = array<i32>} : memref<16x128xf32, #tpu.memory_space<vmem>>, vector<1x16xf32>,
      %swap3A_406 = vector.shape_cast %swap3A_405 : vector<1x16xf32> to vector<16xf32>
      %swap3A_407 = vector.shape_cast %get3A_25 : vector<16xf32> to vector<1x16xf32>
      tpu.vector_store %arg11[%swap3A_403, %swap3A_404], %swap3A_407 {strides = array<i32>} : memref<16x128xf32, #tpu.memory_space<vmem>>, vector<1x16xf32>,
      %swap3A_408 = arith.constant 6 : i32
      %swap3A_409 = arith.index_cast %swap3A_408 : i32 to index
      %swap3A_410 = arith.constant 80 : index
      %swap3A_411 = tpu.vector_load %arg11[%swap3A_409, %swap3A_410] {strides = array<i32>} : memref<16x128xf32, #tpu.memory_space<vmem>>, vector<1x16xf32>,
      %swap3A_412 = vector.shape_cast %swap3A_411 : vector<1x16xf32> to vector<16xf32>
      %swap3A_413 = vector.shape_cast %get3A_30 : vector<16xf32> to vector<1x16xf32>
      tpu.vector_store %arg11[%swap3A_409, %swap3A_410], %swap3A_413 {strides = array<i32>} : memref<16x128xf32, #tpu.memory_space<vmem>>, vector<1x16xf32>,
      %swap3A_414 = arith.constant 6 : i32
      %swap3A_415 = arith.index_cast %swap3A_414 : i32 to index
      %swap3A_416 = arith.constant 96 : index
      %swap3A_417 = tpu.vector_load %arg11[%swap3A_415, %swap3A_416] {strides = array<i32>} : memref<16x128xf32, #tpu.memory_space<vmem>>, vector<1x16xf32>,
      %swap3A_418 = vector.shape_cast %swap3A_417 : vector<1x16xf32> to vector<16xf32>
      %swap3A_419 = vector.shape_cast %get3A_75 : vector<16xf32> to vector<1x16xf32>
      tpu.vector_store %arg11[%swap3A_415, %swap3A_416], %swap3A_419 {strides = array<i32>} : memref<16x128xf32, #tpu.memory_space<vmem>>, vector<1x16xf32>,
      %swap3A_420 = arith.constant 6 : i32
      %swap3A_421 = arith.index_cast %swap3A_420 : i32 to index
      %swap3A_422 = arith.constant 112 : index
      %swap3A_423 = tpu.vector_load %arg11[%swap3A_421, %swap3A_422] {strides = array<i32>} : memref<16x128xf32, #tpu.memory_space<vmem>>, vector<1x16xf32>,
      %swap3A_424 = vector.shape_cast %swap3A_423 : vector<1x16xf32> to vector<16xf32>
      %swap3A_425 = vector.shape_cast %get3A_80 : vector<16xf32> to vector<1x16xf32>
      tpu.vector_store %arg11[%swap3A_421, %swap3A_422], %swap3A_425 {strides = array<i32>} : memref<16x128xf32, #tpu.memory_space<vmem>>, vector<1x16xf32>,
      %swap3A_426 = arith.constant 7 : i32
      %swap3A_427 = arith.index_cast %swap3A_426 : i32 to index
      %swap3A_428 = arith.constant 0 : index
      %swap3A_429 = tpu.vector_load %arg11[%swap3A_427, %swap3A_428] {strides = array<i32>} : memref<16x128xf32, #tpu.memory_space<vmem>>, vector<1x16xf32>,
      %swap3A_430 = vector.shape_cast %swap3A_429 : vector<1x16xf32> to vector<16xf32>
      %swap3A_431 = vector.shape_cast %get3A_5 : vector<16xf32> to vector<1x16xf32>
      tpu.vector_store %arg11[%swap3A_427, %swap3A_428], %swap3A_431 {strides = array<i32>} : memref<16x128xf32, #tpu.memory_space<vmem>>, vector<1x16xf32>,
      %swap3A_432 = arith.constant 7 : i32
      %swap3A_433 = arith.index_cast %swap3A_432 : i32 to index
      %swap3A_434 = arith.constant 16 : index
      %swap3A_435 = tpu.vector_load %arg11[%swap3A_433, %swap3A_434] {strides = array<i32>} : memref<16x128xf32, #tpu.memory_space<vmem>>, vector<1x16xf32>,
      %swap3A_436 = vector.shape_cast %swap3A_435 : vector<1x16xf32> to vector<16xf32>
      %swap3A_437 = vector.shape_cast %get3A_10 : vector<16xf32> to vector<1x16xf32>
      tpu.vector_store %arg11[%swap3A_433, %swap3A_434], %swap3A_437 {strides = array<i32>} : memref<16x128xf32, #tpu.memory_space<vmem>>, vector<1x16xf32>,
      %swap3A_438 = arith.constant 7 : i32
      %swap3A_439 = arith.index_cast %swap3A_438 : i32 to index
      %swap3A_440 = arith.constant 32 : index
      %swap3A_441 = tpu.vector_load %arg11[%swap3A_439, %swap3A_440] {strides = array<i32>} : memref<16x128xf32, #tpu.memory_space<vmem>>, vector<1x16xf32>,
      %swap3A_442 = vector.shape_cast %swap3A_441 : vector<1x16xf32> to vector<16xf32>
      %swap3A_443 = vector.shape_cast %get3A_15 : vector<16xf32> to vector<1x16xf32>
      tpu.vector_store %arg11[%swap3A_439, %swap3A_440], %swap3A_443 {strides = array<i32>} : memref<16x128xf32, #tpu.memory_space<vmem>>, vector<1x16xf32>,
      %swap3A_444 = arith.constant 7 : i32
      %swap3A_445 = arith.index_cast %swap3A_444 : i32 to index
      %swap3A_446 = arith.constant 48 : index
      %swap3A_447 = tpu.vector_load %arg11[%swap3A_445, %swap3A_446] {strides = array<i32>} : memref<16x128xf32, #tpu.memory_space<vmem>>, vector<1x16xf32>,
      %swap3A_448 = vector.shape_cast %swap3A_447 : vector<1x16xf32> to vector<16xf32>
      %swap3A_449 = vector.shape_cast %get3A_20 : vector<16xf32> to vector<1x16xf32>
      tpu.vector_store %arg11[%swap3A_445, %swap3A_446], %swap3A_449 {strides = array<i32>} : memref<16x128xf32, #tpu.memory_space<vmem>>, vector<1x16xf32>,
      %swap3A_450 = arith.constant 7 : i32
      %swap3A_451 = arith.index_cast %swap3A_450 : i32 to index
      %swap3A_452 = arith.constant 64 : index
      %swap3A_453 = tpu.vector_load %arg11[%swap3A_451, %swap3A_452] {strides = array<i32>} : memref<16x128xf32, #tpu.memory_space<vmem>>, vector<1x16xf32>,
      %swap3A_454 = vector.shape_cast %swap3A_453 : vector<1x16xf32> to vector<16xf32>
      %swap3A_455 = vector.shape_cast %get3A_35 : vector<16xf32> to vector<1x16xf32>
      tpu.vector_store %arg11[%swap3A_451, %swap3A_452], %swap3A_455 {strides = array<i32>} : memref<16x128xf32, #tpu.memory_space<vmem>>, vector<1x16xf32>,
      %swap3A_456 = arith.constant 7 : i32
      %swap3A_457 = arith.index_cast %swap3A_456 : i32 to index
      %swap3A_458 = arith.constant 80 : index
      %swap3A_459 = tpu.vector_load %arg11[%swap3A_457, %swap3A_458] {strides = array<i32>} : memref<16x128xf32, #tpu.memory_space<vmem>>, vector<1x16xf32>,
      %swap3A_460 = vector.shape_cast %swap3A_459 : vector<1x16xf32> to vector<16xf32>
      %swap3A_461 = vector.shape_cast %get3A_40 : vector<16xf32> to vector<1x16xf32>
      tpu.vector_store %arg11[%swap3A_457, %swap3A_458], %swap3A_461 {strides = array<i32>} : memref<16x128xf32, #tpu.memory_space<vmem>>, vector<1x16xf32>,
      %swap3A_462 = arith.constant 7 : i32
      %swap3A_463 = arith.index_cast %swap3A_462 : i32 to index
      %swap3A_464 = arith.constant 96 : index
      %swap3A_465 = tpu.vector_load %arg11[%swap3A_463, %swap3A_464] {strides = array<i32>} : memref<16x128xf32, #tpu.memory_space<vmem>>, vector<1x16xf32>,
      %swap3A_466 = vector.shape_cast %swap3A_465 : vector<1x16xf32> to vector<16xf32>
      %swap3A_467 = vector.shape_cast %get3A_85 : vector<16xf32> to vector<1x16xf32>
      tpu.vector_store %arg11[%swap3A_463, %swap3A_464], %swap3A_467 {strides = array<i32>} : memref<16x128xf32, #tpu.memory_space<vmem>>, vector<1x16xf32>,
      %swap3A_468 = arith.constant 7 : i32
      %swap3A_469 = arith.index_cast %swap3A_468 : i32 to index
      %swap3A_470 = arith.constant 112 : index
      %swap3A_471 = tpu.vector_load %arg11[%swap3A_469, %swap3A_470] {strides = array<i32>} : memref<16x128xf32, #tpu.memory_space<vmem>>, vector<1x16xf32>,
      %swap3A_472 = vector.shape_cast %swap3A_471 : vector<1x16xf32> to vector<16xf32>
      %swap3A_473 = vector.shape_cast %get3A_90 : vector<16xf32> to vector<1x16xf32>
      tpu.vector_store %arg11[%swap3A_469, %swap3A_470], %swap3A_473 {strides = array<i32>} : memref<16x128xf32, #tpu.memory_space<vmem>>, vector<1x16xf32>,
      %swap3A_474 = arith.constant 8 : i32
      %swap3A_475 = arith.index_cast %swap3A_474 : i32 to index
      %swap3A_476 = arith.constant 0 : index
      %swap3A_477 = tpu.vector_load %arg11[%swap3A_475, %swap3A_476] {strides = array<i32>} : memref<16x128xf32, #tpu.memory_space<vmem>>, vector<1x16xf32>,
      %swap3A_478 = vector.shape_cast %swap3A_477 : vector<1x16xf32> to vector<16xf32>
      %swap3A_479 = vector.shape_cast %get3A_5 : vector<16xf32> to vector<1x16xf32>
      tpu.vector_store %arg11[%swap3A_475, %swap3A_476], %swap3A_479 {strides = array<i32>} : memref<16x128xf32, #tpu.memory_space<vmem>>, vector<1x16xf32>,
      %swap3A_480 = arith.constant 8 : i32
      %swap3A_481 = arith.index_cast %swap3A_480 : i32 to index
      %swap3A_482 = arith.constant 16 : index
      %swap3A_483 = tpu.vector_load %arg11[%swap3A_481, %swap3A_482] {strides = array<i32>} : memref<16x128xf32, #tpu.memory_space<vmem>>, vector<1x16xf32>,
      %swap3A_484 = vector.shape_cast %swap3A_483 : vector<1x16xf32> to vector<16xf32>
      %swap3A_485 = vector.shape_cast %get3A_10 : vector<16xf32> to vector<1x16xf32>
      tpu.vector_store %arg11[%swap3A_481, %swap3A_482], %swap3A_485 {strides = array<i32>} : memref<16x128xf32, #tpu.memory_space<vmem>>, vector<1x16xf32>,
      %swap3A_486 = arith.constant 8 : i32
      %swap3A_487 = arith.index_cast %swap3A_486 : i32 to index
      %swap3A_488 = arith.constant 32 : index
      %swap3A_489 = tpu.vector_load %arg11[%swap3A_487, %swap3A_488] {strides = array<i32>} : memref<16x128xf32, #tpu.memory_space<vmem>>, vector<1x16xf32>,
      %swap3A_490 = vector.shape_cast %swap3A_489 : vector<1x16xf32> to vector<16xf32>
      %swap3A_491 = vector.shape_cast %get3A_15 : vector<16xf32> to vector<1x16xf32>
      tpu.vector_store %arg11[%swap3A_487, %swap3A_488], %swap3A_491 {strides = array<i32>} : memref<16x128xf32, #tpu.memory_space<vmem>>, vector<1x16xf32>,
      %swap3A_492 = arith.constant 8 : i32
      %swap3A_493 = arith.index_cast %swap3A_492 : i32 to index
      %swap3A_494 = arith.constant 48 : index
      %swap3A_495 = tpu.vector_load %arg11[%swap3A_493, %swap3A_494] {strides = array<i32>} : memref<16x128xf32, #tpu.memory_space<vmem>>, vector<1x16xf32>,
      %swap3A_496 = vector.shape_cast %swap3A_495 : vector<1x16xf32> to vector<16xf32>
      %swap3A_497 = vector.shape_cast %get3A_20 : vector<16xf32> to vector<1x16xf32>
      tpu.vector_store %arg11[%swap3A_493, %swap3A_494], %swap3A_497 {strides = array<i32>} : memref<16x128xf32, #tpu.memory_space<vmem>>, vector<1x16xf32>,
      %swap3A_498 = arith.constant 8 : i32
      %swap3A_499 = arith.index_cast %swap3A_498 : i32 to index
      %swap3A_500 = arith.constant 64 : index
      %swap3A_501 = tpu.vector_load %arg11[%swap3A_499, %swap3A_500] {strides = array<i32>} : memref<16x128xf32, #tpu.memory_space<vmem>>, vector<1x16xf32>,
      %swap3A_502 = vector.shape_cast %swap3A_501 : vector<1x16xf32> to vector<16xf32>
      %swap3A_503 = vector.shape_cast %get3A_45 : vector<16xf32> to vector<1x16xf32>
      tpu.vector_store %arg11[%swap3A_499, %swap3A_500], %swap3A_503 {strides = array<i32>} : memref<16x128xf32, #tpu.memory_space<vmem>>, vector<1x16xf32>,
      %swap3A_504 = arith.constant 8 : i32
      %swap3A_505 = arith.index_cast %swap3A_504 : i32 to index
      %swap3A_506 = arith.constant 80 : index
      %swap3A_507 = tpu.vector_load %arg11[%swap3A_505, %swap3A_506] {strides = array<i32>} : memref<16x128xf32, #tpu.memory_space<vmem>>, vector<1x16xf32>,
      %swap3A_508 = vector.shape_cast %swap3A_507 : vector<1x16xf32> to vector<16xf32>
      %swap3A_509 = vector.shape_cast %get3A_50 : vector<16xf32> to vector<1x16xf32>
      tpu.vector_store %arg11[%swap3A_505, %swap3A_506], %swap3A_509 {strides = array<i32>} : memref<16x128xf32, #tpu.memory_space<vmem>>, vector<1x16xf32>,
      %swap3A_510 = arith.constant 8 : i32
      %swap3A_511 = arith.index_cast %swap3A_510 : i32 to index
      %swap3A_512 = arith.constant 96 : index
      %swap3A_513 = tpu.vector_load %arg11[%swap3A_511, %swap3A_512] {strides = array<i32>} : memref<16x128xf32, #tpu.memory_space<vmem>>, vector<1x16xf32>,
      %swap3A_514 = vector.shape_cast %swap3A_513 : vector<1x16xf32> to vector<16xf32>
      %swap3A_515 = vector.shape_cast %get3A_55 : vector<16xf32> to vector<1x16xf32>
      tpu.vector_store %arg11[%swap3A_511, %swap3A_512], %swap3A_515 {strides = array<i32>} : memref<16x128xf32, #tpu.memory_space<vmem>>, vector<1x16xf32>,
      %swap3A_516 = arith.constant 8 : i32
      %swap3A_517 = arith.index_cast %swap3A_516 : i32 to index
      %swap3A_518 = arith.constant 112 : index
      %swap3A_519 = tpu.vector_load %arg11[%swap3A_517, %swap3A_518] {strides = array<i32>} : memref<16x128xf32, #tpu.memory_space<vmem>>, vector<1x16xf32>,
      %swap3A_520 = vector.shape_cast %swap3A_519 : vector<1x16xf32> to vector<16xf32>
      %swap3A_521 = vector.shape_cast %get3A_60 : vector<16xf32> to vector<1x16xf32>
      tpu.vector_store %arg11[%swap3A_517, %swap3A_518], %swap3A_521 {strides = array<i32>} : memref<16x128xf32, #tpu.memory_space<vmem>>, vector<1x16xf32>,
      %swap3A_522 = arith.constant 9 : i32
      %swap3A_523 = arith.index_cast %swap3A_522 : i32 to index
      %swap3A_524 = arith.constant 0 : index
      %swap3A_525 = tpu.vector_load %arg11[%swap3A_523, %swap3A_524] {strides = array<i32>} : memref<16x128xf32, #tpu.memory_space<vmem>>, vector<1x16xf32>,
      %swap3A_526 = vector.shape_cast %swap3A_525 : vector<1x16xf32> to vector<16xf32>
      %swap3A_527 = vector.shape_cast %get3A_5 : vector<16xf32> to vector<1x16xf32>
      tpu.vector_store %arg11[%swap3A_523, %swap3A_524], %swap3A_527 {strides = array<i32>} : memref<16x128xf32, #tpu.memory_space<vmem>>, vector<1x16xf32>,
      %swap3A_528 = arith.constant 9 : i32
      %swap3A_529 = arith.index_cast %swap3A_528 : i32 to index
      %swap3A_530 = arith.constant 16 : index
      %swap3A_531 = tpu.vector_load %arg11[%swap3A_529, %swap3A_530] {strides = array<i32>} : memref<16x128xf32, #tpu.memory_space<vmem>>, vector<1x16xf32>,
      %swap3A_532 = vector.shape_cast %swap3A_531 : vector<1x16xf32> to vector<16xf32>
      %swap3A_533 = vector.shape_cast %get3A_10 : vector<16xf32> to vector<1x16xf32>
      tpu.vector_store %arg11[%swap3A_529, %swap3A_530], %swap3A_533 {strides = array<i32>} : memref<16x128xf32, #tpu.memory_space<vmem>>, vector<1x16xf32>,
      %swap3A_534 = arith.constant 9 : i32
      %swap3A_535 = arith.index_cast %swap3A_534 : i32 to index
      %swap3A_536 = arith.constant 32 : index
      %swap3A_537 = tpu.vector_load %arg11[%swap3A_535, %swap3A_536] {strides = array<i32>} : memref<16x128xf32, #tpu.memory_space<vmem>>, vector<1x16xf32>,
      %swap3A_538 = vector.shape_cast %swap3A_537 : vector<1x16xf32> to vector<16xf32>
      %swap3A_539 = vector.shape_cast %get3A_15 : vector<16xf32> to vector<1x16xf32>
      tpu.vector_store %arg11[%swap3A_535, %swap3A_536], %swap3A_539 {strides = array<i32>} : memref<16x128xf32, #tpu.memory_space<vmem>>, vector<1x16xf32>,
      %swap3A_540 = arith.constant 9 : i32
      %swap3A_541 = arith.index_cast %swap3A_540 : i32 to index
      %swap3A_542 = arith.constant 48 : index
      %swap3A_543 = tpu.vector_load %arg11[%swap3A_541, %swap3A_542] {strides = array<i32>} : memref<16x128xf32, #tpu.memory_space<vmem>>, vector<1x16xf32>,
      %swap3A_544 = vector.shape_cast %swap3A_543 : vector<1x16xf32> to vector<16xf32>
      %swap3A_545 = vector.shape_cast %get3A_20 : vector<16xf32> to vector<1x16xf32>
      tpu.vector_store %arg11[%swap3A_541, %swap3A_542], %swap3A_545 {strides = array<i32>} : memref<16x128xf32, #tpu.memory_space<vmem>>, vector<1x16xf32>,
      %swap3A_546 = arith.constant 9 : i32
      %swap3A_547 = arith.index_cast %swap3A_546 : i32 to index
      %swap3A_548 = arith.constant 64 : index
      %swap3A_549 = tpu.vector_load %arg11[%swap3A_547, %swap3A_548] {strides = array<i32>} : memref<16x128xf32, #tpu.memory_space<vmem>>, vector<1x16xf32>,
      %swap3A_550 = vector.shape_cast %swap3A_549 : vector<1x16xf32> to vector<16xf32>
      %swap3A_551 = vector.shape_cast %get3A_25 : vector<16xf32> to vector<1x16xf32>
      tpu.vector_store %arg11[%swap3A_547, %swap3A_548], %swap3A_551 {strides = array<i32>} : memref<16x128xf32, #tpu.memory_space<vmem>>, vector<1x16xf32>,
      %swap3A_552 = arith.constant 9 : i32
      %swap3A_553 = arith.index_cast %swap3A_552 : i32 to index
      %swap3A_554 = arith.constant 80 : index
      %swap3A_555 = tpu.vector_load %arg11[%swap3A_553, %swap3A_554] {strides = array<i32>} : memref<16x128xf32, #tpu.memory_space<vmem>>, vector<1x16xf32>,
      %swap3A_556 = vector.shape_cast %swap3A_555 : vector<1x16xf32> to vector<16xf32>
      %swap3A_557 = vector.shape_cast %get3A_30 : vector<16xf32> to vector<1x16xf32>
      tpu.vector_store %arg11[%swap3A_553, %swap3A_554], %swap3A_557 {strides = array<i32>} : memref<16x128xf32, #tpu.memory_space<vmem>>, vector<1x16xf32>,
      %swap3A_558 = arith.constant 9 : i32
      %swap3A_559 = arith.index_cast %swap3A_558 : i32 to index
      %swap3A_560 = arith.constant 96 : index
      %swap3A_561 = tpu.vector_load %arg11[%swap3A_559, %swap3A_560] {strides = array<i32>} : memref<16x128xf32, #tpu.memory_space<vmem>>, vector<1x16xf32>,
      %swap3A_562 = vector.shape_cast %swap3A_561 : vector<1x16xf32> to vector<16xf32>
      %swap3A_563 = vector.shape_cast %get3A_65 : vector<16xf32> to vector<1x16xf32>
      tpu.vector_store %arg11[%swap3A_559, %swap3A_560], %swap3A_563 {strides = array<i32>} : memref<16x128xf32, #tpu.memory_space<vmem>>, vector<1x16xf32>,
      %swap3A_564 = arith.constant 9 : i32
      %swap3A_565 = arith.index_cast %swap3A_564 : i32 to index
      %swap3A_566 = arith.constant 112 : index
      %swap3A_567 = tpu.vector_load %arg11[%swap3A_565, %swap3A_566] {strides = array<i32>} : memref<16x128xf32, #tpu.memory_space<vmem>>, vector<1x16xf32>,
      %swap3A_568 = vector.shape_cast %swap3A_567 : vector<1x16xf32> to vector<16xf32>
      %swap3A_569 = vector.shape_cast %get3A_70 : vector<16xf32> to vector<1x16xf32>
      tpu.vector_store %arg11[%swap3A_565, %swap3A_566], %swap3A_569 {strides = array<i32>} : memref<16x128xf32, #tpu.memory_space<vmem>>, vector<1x16xf32>,
      %swap3A_570 = arith.constant 10 : i32
      %swap3A_571 = arith.index_cast %swap3A_570 : i32 to index
      %swap3A_572 = arith.constant 0 : index
      %swap3A_573 = tpu.vector_load %arg11[%swap3A_571, %swap3A_572] {strides = array<i32>} : memref<16x128xf32, #tpu.memory_space<vmem>>, vector<1x16xf32>,
      %swap3A_574 = vector.shape_cast %swap3A_573 : vector<1x16xf32> to vector<16xf32>
      %swap3A_575 = vector.shape_cast %get3A_5 : vector<16xf32> to vector<1x16xf32>
      tpu.vector_store %arg11[%swap3A_571, %swap3A_572], %swap3A_575 {strides = array<i32>} : memref<16x128xf32, #tpu.memory_space<vmem>>, vector<1x16xf32>,
      %swap3A_576 = arith.constant 10 : i32
      %swap3A_577 = arith.index_cast %swap3A_576 : i32 to index
      %swap3A_578 = arith.constant 16 : index
      %swap3A_579 = tpu.vector_load %arg11[%swap3A_577, %swap3A_578] {strides = array<i32>} : memref<16x128xf32, #tpu.memory_space<vmem>>, vector<1x16xf32>,
      %swap3A_580 = vector.shape_cast %swap3A_579 : vector<1x16xf32> to vector<16xf32>
      %swap3A_581 = vector.shape_cast %get3A_10 : vector<16xf32> to vector<1x16xf32>
      tpu.vector_store %arg11[%swap3A_577, %swap3A_578], %swap3A_581 {strides = array<i32>} : memref<16x128xf32, #tpu.memory_space<vmem>>, vector<1x16xf32>,
      %swap3A_582 = arith.constant 10 : i32
      %swap3A_583 = arith.index_cast %swap3A_582 : i32 to index
      %swap3A_584 = arith.constant 32 : index
      %swap3A_585 = tpu.vector_load %arg11[%swap3A_583, %swap3A_584] {strides = array<i32>} : memref<16x128xf32, #tpu.memory_space<vmem>>, vector<1x16xf32>,
      %swap3A_586 = vector.shape_cast %swap3A_585 : vector<1x16xf32> to vector<16xf32>
      %swap3A_587 = vector.shape_cast %get3A_15 : vector<16xf32> to vector<1x16xf32>
      tpu.vector_store %arg11[%swap3A_583, %swap3A_584], %swap3A_587 {strides = array<i32>} : memref<16x128xf32, #tpu.memory_space<vmem>>, vector<1x16xf32>,
      %swap3A_588 = arith.constant 10 : i32
      %swap3A_589 = arith.index_cast %swap3A_588 : i32 to index
      %swap3A_590 = arith.constant 48 : index
      %swap3A_591 = tpu.vector_load %arg11[%swap3A_589, %swap3A_590] {strides = array<i32>} : memref<16x128xf32, #tpu.memory_space<vmem>>, vector<1x16xf32>,
      %swap3A_592 = vector.shape_cast %swap3A_591 : vector<1x16xf32> to vector<16xf32>
      %swap3A_593 = vector.shape_cast %get3A_20 : vector<16xf32> to vector<1x16xf32>
      tpu.vector_store %arg11[%swap3A_589, %swap3A_590], %swap3A_593 {strides = array<i32>} : memref<16x128xf32, #tpu.memory_space<vmem>>, vector<1x16xf32>,
      %swap3A_594 = arith.constant 10 : i32
      %swap3A_595 = arith.index_cast %swap3A_594 : i32 to index
      %swap3A_596 = arith.constant 64 : index
      %swap3A_597 = tpu.vector_load %arg11[%swap3A_595, %swap3A_596] {strides = array<i32>} : memref<16x128xf32, #tpu.memory_space<vmem>>, vector<1x16xf32>,
      %swap3A_598 = vector.shape_cast %swap3A_597 : vector<1x16xf32> to vector<16xf32>
      %swap3A_599 = vector.shape_cast %get3A_35 : vector<16xf32> to vector<1x16xf32>
      tpu.vector_store %arg11[%swap3A_595, %swap3A_596], %swap3A_599 {strides = array<i32>} : memref<16x128xf32, #tpu.memory_space<vmem>>, vector<1x16xf32>,
      %swap3A_600 = arith.constant 10 : i32
      %swap3A_601 = arith.index_cast %swap3A_600 : i32 to index
      %swap3A_602 = arith.constant 80 : index
      %swap3A_603 = tpu.vector_load %arg11[%swap3A_601, %swap3A_602] {strides = array<i32>} : memref<16x128xf32, #tpu.memory_space<vmem>>, vector<1x16xf32>,
      %swap3A_604 = vector.shape_cast %swap3A_603 : vector<1x16xf32> to vector<16xf32>
      %swap3A_605 = vector.shape_cast %get3A_40 : vector<16xf32> to vector<1x16xf32>
      tpu.vector_store %arg11[%swap3A_601, %swap3A_602], %swap3A_605 {strides = array<i32>} : memref<16x128xf32, #tpu.memory_space<vmem>>, vector<1x16xf32>,
      %swap3A_606 = arith.constant 10 : i32
      %swap3A_607 = arith.index_cast %swap3A_606 : i32 to index
      %swap3A_608 = arith.constant 96 : index
      %swap3A_609 = tpu.vector_load %arg11[%swap3A_607, %swap3A_608] {strides = array<i32>} : memref<16x128xf32, #tpu.memory_space<vmem>>, vector<1x16xf32>,
      %swap3A_610 = vector.shape_cast %swap3A_609 : vector<1x16xf32> to vector<16xf32>
      %swap3A_611 = vector.shape_cast %get3A_75 : vector<16xf32> to vector<1x16xf32>
      tpu.vector_store %arg11[%swap3A_607, %swap3A_608], %swap3A_611 {strides = array<i32>} : memref<16x128xf32, #tpu.memory_space<vmem>>, vector<1x16xf32>,
      %swap3A_612 = arith.constant 10 : i32
      %swap3A_613 = arith.index_cast %swap3A_612 : i32 to index
      %swap3A_614 = arith.constant 112 : index
      %swap3A_615 = tpu.vector_load %arg11[%swap3A_613, %swap3A_614] {strides = array<i32>} : memref<16x128xf32, #tpu.memory_space<vmem>>, vector<1x16xf32>,
      %swap3A_616 = vector.shape_cast %swap3A_615 : vector<1x16xf32> to vector<16xf32>
      %swap3A_617 = vector.shape_cast %get3A_80 : vector<16xf32> to vector<1x16xf32>
      tpu.vector_store %arg11[%swap3A_613, %swap3A_614], %swap3A_617 {strides = array<i32>} : memref<16x128xf32, #tpu.memory_space<vmem>>, vector<1x16xf32>,
      %swap3A_618 = arith.constant 11 : i32
      %swap3A_619 = arith.index_cast %swap3A_618 : i32 to index
      %swap3A_620 = arith.constant 0 : index
      %swap3A_621 = tpu.vector_load %arg11[%swap3A_619, %swap3A_620] {strides = array<i32>} : memref<16x128xf32, #tpu.memory_space<vmem>>, vector<1x16xf32>,
      %swap3A_622 = vector.shape_cast %swap3A_621 : vector<1x16xf32> to vector<16xf32>
      %swap3A_623 = vector.shape_cast %get3A_5 : vector<16xf32> to vector<1x16xf32>
      tpu.vector_store %arg11[%swap3A_619, %swap3A_620], %swap3A_623 {strides = array<i32>} : memref<16x128xf32, #tpu.memory_space<vmem>>, vector<1x16xf32>,
      %swap3A_624 = arith.constant 11 : i32
      %swap3A_625 = arith.index_cast %swap3A_624 : i32 to index
      %swap3A_626 = arith.constant 16 : index
      %swap3A_627 = tpu.vector_load %arg11[%swap3A_625, %swap3A_626] {strides = array<i32>} : memref<16x128xf32, #tpu.memory_space<vmem>>, vector<1x16xf32>,
      %swap3A_628 = vector.shape_cast %swap3A_627 : vector<1x16xf32> to vector<16xf32>
      %swap3A_629 = vector.shape_cast %get3A_10 : vector<16xf32> to vector<1x16xf32>
      tpu.vector_store %arg11[%swap3A_625, %swap3A_626], %swap3A_629 {strides = array<i32>} : memref<16x128xf32, #tpu.memory_space<vmem>>, vector<1x16xf32>,
      %swap3A_630 = arith.constant 11 : i32
      %swap3A_631 = arith.index_cast %swap3A_630 : i32 to index
      %swap3A_632 = arith.constant 32 : index
      %swap3A_633 = tpu.vector_load %arg11[%swap3A_631, %swap3A_632] {strides = array<i32>} : memref<16x128xf32, #tpu.memory_space<vmem>>, vector<1x16xf32>,
      %swap3A_634 = vector.shape_cast %swap3A_633 : vector<1x16xf32> to vector<16xf32>
      %swap3A_635 = vector.shape_cast %get3A_15 : vector<16xf32> to vector<1x16xf32>
      tpu.vector_store %arg11[%swap3A_631, %swap3A_632], %swap3A_635 {strides = array<i32>} : memref<16x128xf32, #tpu.memory_space<vmem>>, vector<1x16xf32>,
      %swap3A_636 = arith.constant 11 : i32
      %swap3A_637 = arith.index_cast %swap3A_636 : i32 to index
      %swap3A_638 = arith.constant 48 : index
      %swap3A_639 = tpu.vector_load %arg11[%swap3A_637, %swap3A_638] {strides = array<i32>} : memref<16x128xf32, #tpu.memory_space<vmem>>, vector<1x16xf32>,
      %swap3A_640 = vector.shape_cast %swap3A_639 : vector<1x16xf32> to vector<16xf32>
      %swap3A_641 = vector.shape_cast %get3A_20 : vector<16xf32> to vector<1x16xf32>
      tpu.vector_store %arg11[%swap3A_637, %swap3A_638], %swap3A_641 {strides = array<i32>} : memref<16x128xf32, #tpu.memory_space<vmem>>, vector<1x16xf32>,
      %swap3A_642 = arith.constant 11 : i32
      %swap3A_643 = arith.index_cast %swap3A_642 : i32 to index
      %swap3A_644 = arith.constant 64 : index
      %swap3A_645 = tpu.vector_load %arg11[%swap3A_643, %swap3A_644] {strides = array<i32>} : memref<16x128xf32, #tpu.memory_space<vmem>>, vector<1x16xf32>,
      %swap3A_646 = vector.shape_cast %swap3A_645 : vector<1x16xf32> to vector<16xf32>
      %swap3A_647 = vector.shape_cast %get3A_45 : vector<16xf32> to vector<1x16xf32>
      tpu.vector_store %arg11[%swap3A_643, %swap3A_644], %swap3A_647 {strides = array<i32>} : memref<16x128xf32, #tpu.memory_space<vmem>>, vector<1x16xf32>,
      %swap3A_648 = arith.constant 11 : i32
      %swap3A_649 = arith.index_cast %swap3A_648 : i32 to index
      %swap3A_650 = arith.constant 80 : index
      %swap3A_651 = tpu.vector_load %arg11[%swap3A_649, %swap3A_650] {strides = array<i32>} : memref<16x128xf32, #tpu.memory_space<vmem>>, vector<1x16xf32>,
      %swap3A_652 = vector.shape_cast %swap3A_651 : vector<1x16xf32> to vector<16xf32>
      %swap3A_653 = vector.shape_cast %get3A_50 : vector<16xf32> to vector<1x16xf32>
      tpu.vector_store %arg11[%swap3A_649, %swap3A_650], %swap3A_653 {strides = array<i32>} : memref<16x128xf32, #tpu.memory_space<vmem>>, vector<1x16xf32>,
      %swap3A_654 = arith.constant 11 : i32
      %swap3A_655 = arith.index_cast %swap3A_654 : i32 to index
      %swap3A_656 = arith.constant 96 : index
      %swap3A_657 = tpu.vector_load %arg11[%swap3A_655, %swap3A_656] {strides = array<i32>} : memref<16x128xf32, #tpu.memory_space<vmem>>, vector<1x16xf32>,
      %swap3A_658 = vector.shape_cast %swap3A_657 : vector<1x16xf32> to vector<16xf32>
      %swap3A_659 = vector.shape_cast %get3A_85 : vector<16xf32> to vector<1x16xf32>
      tpu.vector_store %arg11[%swap3A_655, %swap3A_656], %swap3A_659 {strides = array<i32>} : memref<16x128xf32, #tpu.memory_space<vmem>>, vector<1x16xf32>,
      %swap3A_660 = arith.constant 11 : i32
      %swap3A_661 = arith.index_cast %swap3A_660 : i32 to index
      %swap3A_662 = arith.constant 112 : index
      %swap3A_663 = tpu.vector_load %arg11[%swap3A_661, %swap3A_662] {strides = array<i32>} : memref<16x128xf32, #tpu.memory_space<vmem>>, vector<1x16xf32>,
      %swap3A_664 = vector.shape_cast %swap3A_663 : vector<1x16xf32> to vector<16xf32>
      %swap3A_665 = vector.shape_cast %get3A_90 : vector<16xf32> to vector<1x16xf32>
      tpu.vector_store %arg11[%swap3A_661, %swap3A_662], %swap3A_665 {strides = array<i32>} : memref<16x128xf32, #tpu.memory_space<vmem>>, vector<1x16xf32>,
      %swap3A_666 = arith.constant 12 : i32
      %swap3A_667 = arith.index_cast %swap3A_666 : i32 to index
      %swap3A_668 = arith.constant 0 : index
      %swap3A_669 = tpu.vector_load %arg11[%swap3A_667, %swap3A_668] {strides = array<i32>} : memref<16x128xf32, #tpu.memory_space<vmem>>, vector<1x16xf32>,
      %swap3A_670 = vector.shape_cast %swap3A_669 : vector<1x16xf32> to vector<16xf32>
      %swap3A_671 = vector.shape_cast %get3A_5 : vector<16xf32> to vector<1x16xf32>
      tpu.vector_store %arg11[%swap3A_667, %swap3A_668], %swap3A_671 {strides = array<i32>} : memref<16x128xf32, #tpu.memory_space<vmem>>, vector<1x16xf32>,
      %swap3A_672 = arith.constant 12 : i32
      %swap3A_673 = arith.index_cast %swap3A_672 : i32 to index
      %swap3A_674 = arith.constant 16 : index
      %swap3A_675 = tpu.vector_load %arg11[%swap3A_673, %swap3A_674] {strides = array<i32>} : memref<16x128xf32, #tpu.memory_space<vmem>>, vector<1x16xf32>,
      %swap3A_676 = vector.shape_cast %swap3A_675 : vector<1x16xf32> to vector<16xf32>
      %swap3A_677 = vector.shape_cast %get3A_10 : vector<16xf32> to vector<1x16xf32>
      tpu.vector_store %arg11[%swap3A_673, %swap3A_674], %swap3A_677 {strides = array<i32>} : memref<16x128xf32, #tpu.memory_space<vmem>>, vector<1x16xf32>,
      %swap3A_678 = arith.constant 12 : i32
      %swap3A_679 = arith.index_cast %swap3A_678 : i32 to index
      %swap3A_680 = arith.constant 32 : index
      %swap3A_681 = tpu.vector_load %arg11[%swap3A_679, %swap3A_680] {strides = array<i32>} : memref<16x128xf32, #tpu.memory_space<vmem>>, vector<1x16xf32>,
      %swap3A_682 = vector.shape_cast %swap3A_681 : vector<1x16xf32> to vector<16xf32>
      %swap3A_683 = vector.shape_cast %get3A_15 : vector<16xf32> to vector<1x16xf32>
      tpu.vector_store %arg11[%swap3A_679, %swap3A_680], %swap3A_683 {strides = array<i32>} : memref<16x128xf32, #tpu.memory_space<vmem>>, vector<1x16xf32>,
      %swap3A_684 = arith.constant 12 : i32
      %swap3A_685 = arith.index_cast %swap3A_684 : i32 to index
      %swap3A_686 = arith.constant 48 : index
      %swap3A_687 = tpu.vector_load %arg11[%swap3A_685, %swap3A_686] {strides = array<i32>} : memref<16x128xf32, #tpu.memory_space<vmem>>, vector<1x16xf32>,
      %swap3A_688 = vector.shape_cast %swap3A_687 : vector<1x16xf32> to vector<16xf32>
      %swap3A_689 = vector.shape_cast %get3A_20 : vector<16xf32> to vector<1x16xf32>
      tpu.vector_store %arg11[%swap3A_685, %swap3A_686], %swap3A_689 {strides = array<i32>} : memref<16x128xf32, #tpu.memory_space<vmem>>, vector<1x16xf32>,
      %swap3A_690 = arith.constant 12 : i32
      %swap3A_691 = arith.index_cast %swap3A_690 : i32 to index
      %swap3A_692 = arith.constant 64 : index
      %swap3A_693 = tpu.vector_load %arg11[%swap3A_691, %swap3A_692] {strides = array<i32>} : memref<16x128xf32, #tpu.memory_space<vmem>>, vector<1x16xf32>,
      %swap3A_694 = vector.shape_cast %swap3A_693 : vector<1x16xf32> to vector<16xf32>
      %swap3A_695 = vector.shape_cast %get3A_25 : vector<16xf32> to vector<1x16xf32>
      tpu.vector_store %arg11[%swap3A_691, %swap3A_692], %swap3A_695 {strides = array<i32>} : memref<16x128xf32, #tpu.memory_space<vmem>>, vector<1x16xf32>,
      %swap3A_696 = arith.constant 12 : i32
      %swap3A_697 = arith.index_cast %swap3A_696 : i32 to index
      %swap3A_698 = arith.constant 80 : index
      %swap3A_699 = tpu.vector_load %arg11[%swap3A_697, %swap3A_698] {strides = array<i32>} : memref<16x128xf32, #tpu.memory_space<vmem>>, vector<1x16xf32>,
      %swap3A_700 = vector.shape_cast %swap3A_699 : vector<1x16xf32> to vector<16xf32>
      %swap3A_701 = vector.shape_cast %get3A_30 : vector<16xf32> to vector<1x16xf32>
      tpu.vector_store %arg11[%swap3A_697, %swap3A_698], %swap3A_701 {strides = array<i32>} : memref<16x128xf32, #tpu.memory_space<vmem>>, vector<1x16xf32>,
      %swap3A_702 = arith.constant 12 : i32
      %swap3A_703 = arith.index_cast %swap3A_702 : i32 to index
      %swap3A_704 = arith.constant 96 : index
      %swap3A_705 = tpu.vector_load %arg11[%swap3A_703, %swap3A_704] {strides = array<i32>} : memref<16x128xf32, #tpu.memory_space<vmem>>, vector<1x16xf32>,
      %swap3A_706 = vector.shape_cast %swap3A_705 : vector<1x16xf32> to vector<16xf32>
      %swap3A_707 = vector.shape_cast %get3A_55 : vector<16xf32> to vector<1x16xf32>
      tpu.vector_store %arg11[%swap3A_703, %swap3A_704], %swap3A_707 {strides = array<i32>} : memref<16x128xf32, #tpu.memory_space<vmem>>, vector<1x16xf32>,
      %swap3A_708 = arith.constant 12 : i32
      %swap3A_709 = arith.index_cast %swap3A_708 : i32 to index
      %swap3A_710 = arith.constant 112 : index
      %swap3A_711 = tpu.vector_load %arg11[%swap3A_709, %swap3A_710] {strides = array<i32>} : memref<16x128xf32, #tpu.memory_space<vmem>>, vector<1x16xf32>,
      %swap3A_712 = vector.shape_cast %swap3A_711 : vector<1x16xf32> to vector<16xf32>
      %swap3A_713 = vector.shape_cast %get3A_60 : vector<16xf32> to vector<1x16xf32>
      tpu.vector_store %arg11[%swap3A_709, %swap3A_710], %swap3A_713 {strides = array<i32>} : memref<16x128xf32, #tpu.memory_space<vmem>>, vector<1x16xf32>,
      %swap3A_714 = arith.constant 13 : i32
      %swap3A_715 = arith.index_cast %swap3A_714 : i32 to index
      %swap3A_716 = arith.constant 0 : index
      %swap3A_717 = tpu.vector_load %arg11[%swap3A_715, %swap3A_716] {strides = array<i32>} : memref<16x128xf32, #tpu.memory_space<vmem>>, vector<1x16xf32>,
      %swap3A_718 = vector.shape_cast %swap3A_717 : vector<1x16xf32> to vector<16xf32>
      %swap3A_719 = vector.shape_cast %get3A_5 : vector<16xf32> to vector<1x16xf32>
      tpu.vector_store %arg11[%swap3A_715, %swap3A_716], %swap3A_719 {strides = array<i32>} : memref<16x128xf32, #tpu.memory_space<vmem>>, vector<1x16xf32>,
      %swap3A_720 = arith.constant 13 : i32
      %swap3A_721 = arith.index_cast %swap3A_720 : i32 to index
      %swap3A_722 = arith.constant 16 : index
      %swap3A_723 = tpu.vector_load %arg11[%swap3A_721, %swap3A_722] {strides = array<i32>} : memref<16x128xf32, #tpu.memory_space<vmem>>, vector<1x16xf32>,
      %swap3A_724 = vector.shape_cast %swap3A_723 : vector<1x16xf32> to vector<16xf32>
      %swap3A_725 = vector.shape_cast %get3A_10 : vector<16xf32> to vector<1x16xf32>
      tpu.vector_store %arg11[%swap3A_721, %swap3A_722], %swap3A_725 {strides = array<i32>} : memref<16x128xf32, #tpu.memory_space<vmem>>, vector<1x16xf32>,
      %swap3A_726 = arith.constant 13 : i32
      %swap3A_727 = arith.index_cast %swap3A_726 : i32 to index
      %swap3A_728 = arith.constant 32 : index
      %swap3A_729 = tpu.vector_load %arg11[%swap3A_727, %swap3A_728] {strides = array<i32>} : memref<16x128xf32, #tpu.memory_space<vmem>>, vector<1x16xf32>,
      %swap3A_730 = vector.shape_cast %swap3A_729 : vector<1x16xf32> to vector<16xf32>
      %swap3A_731 = vector.shape_cast %get3A_15 : vector<16xf32> to vector<1x16xf32>
      tpu.vector_store %arg11[%swap3A_727, %swap3A_728], %swap3A_731 {strides = array<i32>} : memref<16x128xf32, #tpu.memory_space<vmem>>, vector<1x16xf32>,
      %swap3A_732 = arith.constant 13 : i32
      %swap3A_733 = arith.index_cast %swap3A_732 : i32 to index
      %swap3A_734 = arith.constant 48 : index
      %swap3A_735 = tpu.vector_load %arg11[%swap3A_733, %swap3A_734] {strides = array<i32>} : memref<16x128xf32, #tpu.memory_space<vmem>>, vector<1x16xf32>,
      %swap3A_736 = vector.shape_cast %swap3A_735 : vector<1x16xf32> to vector<16xf32>
      %swap3A_737 = vector.shape_cast %get3A_20 : vector<16xf32> to vector<1x16xf32>
      tpu.vector_store %arg11[%swap3A_733, %swap3A_734], %swap3A_737 {strides = array<i32>} : memref<16x128xf32, #tpu.memory_space<vmem>>, vector<1x16xf32>,
      %swap3A_738 = arith.constant 13 : i32
      %swap3A_739 = arith.index_cast %swap3A_738 : i32 to index
      %swap3A_740 = arith.constant 64 : index
      %swap3A_741 = tpu.vector_load %arg11[%swap3A_739, %swap3A_740] {strides = array<i32>} : memref<16x128xf32, #tpu.memory_space<vmem>>, vector<1x16xf32>,
      %swap3A_742 = vector.shape_cast %swap3A_741 : vector<1x16xf32> to vector<16xf32>
      %swap3A_743 = vector.shape_cast %get3A_35 : vector<16xf32> to vector<1x16xf32>
      tpu.vector_store %arg11[%swap3A_739, %swap3A_740], %swap3A_743 {strides = array<i32>} : memref<16x128xf32, #tpu.memory_space<vmem>>, vector<1x16xf32>,
      %swap3A_744 = arith.constant 13 : i32
      %swap3A_745 = arith.index_cast %swap3A_744 : i32 to index
      %swap3A_746 = arith.constant 80 : index
      %swap3A_747 = tpu.vector_load %arg11[%swap3A_745, %swap3A_746] {strides = array<i32>} : memref<16x128xf32, #tpu.memory_space<vmem>>, vector<1x16xf32>,
      %swap3A_748 = vector.shape_cast %swap3A_747 : vector<1x16xf32> to vector<16xf32>
      %swap3A_749 = vector.shape_cast %get3A_40 : vector<16xf32> to vector<1x16xf32>
      tpu.vector_store %arg11[%swap3A_745, %swap3A_746], %swap3A_749 {strides = array<i32>} : memref<16x128xf32, #tpu.memory_space<vmem>>, vector<1x16xf32>,
      %swap3A_750 = arith.constant 13 : i32
      %swap3A_751 = arith.index_cast %swap3A_750 : i32 to index
      %swap3A_752 = arith.constant 96 : index
      %swap3A_753 = tpu.vector_load %arg11[%swap3A_751, %swap3A_752] {strides = array<i32>} : memref<16x128xf32, #tpu.memory_space<vmem>>, vector<1x16xf32>,
      %swap3A_754 = vector.shape_cast %swap3A_753 : vector<1x16xf32> to vector<16xf32>
      %swap3A_755 = vector.shape_cast %get3A_65 : vector<16xf32> to vector<1x16xf32>
      tpu.vector_store %arg11[%swap3A_751, %swap3A_752], %swap3A_755 {strides = array<i32>} : memref<16x128xf32, #tpu.memory_space<vmem>>, vector<1x16xf32>,
      %swap3A_756 = arith.constant 13 : i32
      %swap3A_757 = arith.index_cast %swap3A_756 : i32 to index
      %swap3A_758 = arith.constant 112 : index
      %swap3A_759 = tpu.vector_load %arg11[%swap3A_757, %swap3A_758] {strides = array<i32>} : memref<16x128xf32, #tpu.memory_space<vmem>>, vector<1x16xf32>,
      %swap3A_760 = vector.shape_cast %swap3A_759 : vector<1x16xf32> to vector<16xf32>
      %swap3A_761 = vector.shape_cast %get3A_70 : vector<16xf32> to vector<1x16xf32>
      tpu.vector_store %arg11[%swap3A_757, %swap3A_758], %swap3A_761 {strides = array<i32>} : memref<16x128xf32, #tpu.memory_space<vmem>>, vector<1x16xf32>,
      %swap3A_762 = arith.constant 14 : i32
      %swap3A_763 = arith.index_cast %swap3A_762 : i32 to index
      %swap3A_764 = arith.constant 0 : index
      %swap3A_765 = tpu.vector_load %arg11[%swap3A_763, %swap3A_764] {strides = array<i32>} : memref<16x128xf32, #tpu.memory_space<vmem>>, vector<1x16xf32>,
      %swap3A_766 = vector.shape_cast %swap3A_765 : vector<1x16xf32> to vector<16xf32>
      %swap3A_767 = vector.shape_cast %get3A_5 : vector<16xf32> to vector<1x16xf32>
      tpu.vector_store %arg11[%swap3A_763, %swap3A_764], %swap3A_767 {strides = array<i32>} : memref<16x128xf32, #tpu.memory_space<vmem>>, vector<1x16xf32>,
      %swap3A_768 = arith.constant 14 : i32
      %swap3A_769 = arith.index_cast %swap3A_768 : i32 to index
      %swap3A_770 = arith.constant 16 : index
      %swap3A_771 = tpu.vector_load %arg11[%swap3A_769, %swap3A_770] {strides = array<i32>} : memref<16x128xf32, #tpu.memory_space<vmem>>, vector<1x16xf32>,
      %swap3A_772 = vector.shape_cast %swap3A_771 : vector<1x16xf32> to vector<16xf32>
      %swap3A_773 = vector.shape_cast %get3A_10 : vector<16xf32> to vector<1x16xf32>
      tpu.vector_store %arg11[%swap3A_769, %swap3A_770], %swap3A_773 {strides = array<i32>} : memref<16x128xf32, #tpu.memory_space<vmem>>, vector<1x16xf32>,
      %swap3A_774 = arith.constant 14 : i32
      %swap3A_775 = arith.index_cast %swap3A_774 : i32 to index
      %swap3A_776 = arith.constant 32 : index
      %swap3A_777 = tpu.vector_load %arg11[%swap3A_775, %swap3A_776] {strides = array<i32>} : memref<16x128xf32, #tpu.memory_space<vmem>>, vector<1x16xf32>,
      %swap3A_778 = vector.shape_cast %swap3A_777 : vector<1x16xf32> to vector<16xf32>
      %swap3A_779 = vector.shape_cast %get3A_15 : vector<16xf32> to vector<1x16xf32>
      tpu.vector_store %arg11[%swap3A_775, %swap3A_776], %swap3A_779 {strides = array<i32>} : memref<16x128xf32, #tpu.memory_space<vmem>>, vector<1x16xf32>,
      %swap3A_780 = arith.constant 14 : i32
      %swap3A_781 = arith.index_cast %swap3A_780 : i32 to index
      %swap3A_782 = arith.constant 48 : index
      %swap3A_783 = tpu.vector_load %arg11[%swap3A_781, %swap3A_782] {strides = array<i32>} : memref<16x128xf32, #tpu.memory_space<vmem>>, vector<1x16xf32>,
      %swap3A_784 = vector.shape_cast %swap3A_783 : vector<1x16xf32> to vector<16xf32>
      %swap3A_785 = vector.shape_cast %get3A_20 : vector<16xf32> to vector<1x16xf32>
      tpu.vector_store %arg11[%swap3A_781, %swap3A_782], %swap3A_785 {strides = array<i32>} : memref<16x128xf32, #tpu.memory_space<vmem>>, vector<1x16xf32>,
      %swap3A_786 = arith.constant 14 : i32
      %swap3A_787 = arith.index_cast %swap3A_786 : i32 to index
      %swap3A_788 = arith.constant 64 : index
      %swap3A_789 = tpu.vector_load %arg11[%swap3A_787, %swap3A_788] {strides = array<i32>} : memref<16x128xf32, #tpu.memory_space<vmem>>, vector<1x16xf32>,
      %swap3A_790 = vector.shape_cast %swap3A_789 : vector<1x16xf32> to vector<16xf32>
      %swap3A_791 = vector.shape_cast %get3A_45 : vector<16xf32> to vector<1x16xf32>
      tpu.vector_store %arg11[%swap3A_787, %swap3A_788], %swap3A_791 {strides = array<i32>} : memref<16x128xf32, #tpu.memory_space<vmem>>, vector<1x16xf32>,
      %swap3A_792 = arith.constant 14 : i32
      %swap3A_793 = arith.index_cast %swap3A_792 : i32 to index
      %swap3A_794 = arith.constant 80 : index
      %swap3A_795 = tpu.vector_load %arg11[%swap3A_793, %swap3A_794] {strides = array<i32>} : memref<16x128xf32, #tpu.memory_space<vmem>>, vector<1x16xf32>,
      %swap3A_796 = vector.shape_cast %swap3A_795 : vector<1x16xf32> to vector<16xf32>
      %swap3A_797 = vector.shape_cast %get3A_50 : vector<16xf32> to vector<1x16xf32>
      tpu.vector_store %arg11[%swap3A_793, %swap3A_794], %swap3A_797 {strides = array<i32>} : memref<16x128xf32, #tpu.memory_space<vmem>>, vector<1x16xf32>,
      %swap3A_798 = arith.constant 14 : i32
      %swap3A_799 = arith.index_cast %swap3A_798 : i32 to index
      %swap3A_800 = arith.constant 96 : index
      %swap3A_801 = tpu.vector_load %arg11[%swap3A_799, %swap3A_800] {strides = array<i32>} : memref<16x128xf32, #tpu.memory_space<vmem>>, vector<1x16xf32>,
      %swap3A_802 = vector.shape_cast %swap3A_801 : vector<1x16xf32> to vector<16xf32>
      %swap3A_803 = vector.shape_cast %get3A_75 : vector<16xf32> to vector<1x16xf32>
      tpu.vector_store %arg11[%swap3A_799, %swap3A_800], %swap3A_803 {strides = array<i32>} : memref<16x128xf32, #tpu.memory_space<vmem>>, vector<1x16xf32>,
      %swap3A_804 = arith.constant 14 : i32
      %swap3A_805 = arith.index_cast %swap3A_804 : i32 to index
      %swap3A_806 = arith.constant 112 : index
      %swap3A_807 = tpu.vector_load %arg11[%swap3A_805, %swap3A_806] {strides = array<i32>} : memref<16x128xf32, #tpu.memory_space<vmem>>, vector<1x16xf32>,
      %swap3A_808 = vector.shape_cast %swap3A_807 : vector<1x16xf32> to vector<16xf32>
      %swap3A_809 = vector.shape_cast %get3A_80 : vector<16xf32> to vector<1x16xf32>
      tpu.vector_store %arg11[%swap3A_805, %swap3A_806], %swap3A_809 {strides = array<i32>} : memref<16x128xf32, #tpu.memory_space<vmem>>, vector<1x16xf32>,
      %swap3A_810 = arith.constant 15 : i32
      %swap3A_811 = arith.index_cast %swap3A_810 : i32 to index
      %swap3A_812 = arith.constant 0 : index
      %swap3A_813 = tpu.vector_load %arg11[%swap3A_811, %swap3A_812] {strides = array<i32>} : memref<16x128xf32, #tpu.memory_space<vmem>>, vector<1x16xf32>,
      %swap3A_814 = vector.shape_cast %swap3A_813 : vector<1x16xf32> to vector<16xf32>
      %swap3A_815 = vector.shape_cast %get3A_5 : vector<16xf32> to vector<1x16xf32>
      tpu.vector_store %arg11[%swap3A_811, %swap3A_812], %swap3A_815 {strides = array<i32>} : memref<16x128xf32, #tpu.memory_space<vmem>>, vector<1x16xf32>,
      %swap3A_816 = arith.constant 15 : i32
      %swap3A_817 = arith.index_cast %swap3A_816 : i32 to index
      %swap3A_818 = arith.constant 16 : index
      %swap3A_819 = tpu.vector_load %arg11[%swap3A_817, %swap3A_818] {strides = array<i32>} : memref<16x128xf32, #tpu.memory_space<vmem>>, vector<1x16xf32>,
      %swap3A_820 = vector.shape_cast %swap3A_819 : vector<1x16xf32> to vector<16xf32>
      %swap3A_821 = vector.shape_cast %get3A_10 : vector<16xf32> to vector<1x16xf32>
      tpu.vector_store %arg11[%swap3A_817, %swap3A_818], %swap3A_821 {strides = array<i32>} : memref<16x128xf32, #tpu.memory_space<vmem>>, vector<1x16xf32>,
      %swap3A_822 = arith.constant 15 : i32
      %swap3A_823 = arith.index_cast %swap3A_822 : i32 to index
      %swap3A_824 = arith.constant 32 : index
      %swap3A_825 = tpu.vector_load %arg11[%swap3A_823, %swap3A_824] {strides = array<i32>} : memref<16x128xf32, #tpu.memory_space<vmem>>, vector<1x16xf32>,
      %swap3A_826 = vector.shape_cast %swap3A_825 : vector<1x16xf32> to vector<16xf32>
      %swap3A_827 = vector.shape_cast %get3A_15 : vector<16xf32> to vector<1x16xf32>
      tpu.vector_store %arg11[%swap3A_823, %swap3A_824], %swap3A_827 {strides = array<i32>} : memref<16x128xf32, #tpu.memory_space<vmem>>, vector<1x16xf32>,
      %swap3A_828 = arith.constant 15 : i32
      %swap3A_829 = arith.index_cast %swap3A_828 : i32 to index
      %swap3A_830 = arith.constant 48 : index
      %swap3A_831 = tpu.vector_load %arg11[%swap3A_829, %swap3A_830] {strides = array<i32>} : memref<16x128xf32, #tpu.memory_space<vmem>>, vector<1x16xf32>,
      %swap3A_832 = vector.shape_cast %swap3A_831 : vector<1x16xf32> to vector<16xf32>
      %swap3A_833 = vector.shape_cast %get3A_20 : vector<16xf32> to vector<1x16xf32>
      tpu.vector_store %arg11[%swap3A_829, %swap3A_830], %swap3A_833 {strides = array<i32>} : memref<16x128xf32, #tpu.memory_space<vmem>>, vector<1x16xf32>,
      %swap3A_834 = arith.constant 15 : i32
      %swap3A_835 = arith.index_cast %swap3A_834 : i32 to index
      %swap3A_836 = arith.constant 64 : index
      %swap3A_837 = tpu.vector_load %arg11[%swap3A_835, %swap3A_836] {strides = array<i32>} : memref<16x128xf32, #tpu.memory_space<vmem>>, vector<1x16xf32>,
      %swap3A_838 = vector.shape_cast %swap3A_837 : vector<1x16xf32> to vector<16xf32>
      %swap3A_839 = vector.shape_cast %get3A_25 : vector<16xf32> to vector<1x16xf32>
      tpu.vector_store %arg11[%swap3A_835, %swap3A_836], %swap3A_839 {strides = array<i32>} : memref<16x128xf32, #tpu.memory_space<vmem>>, vector<1x16xf32>,
      %swap3A_840 = arith.constant 15 : i32
      %swap3A_841 = arith.index_cast %swap3A_840 : i32 to index
      %swap3A_842 = arith.constant 80 : index
      %swap3A_843 = tpu.vector_load %arg11[%swap3A_841, %swap3A_842] {strides = array<i32>} : memref<16x128xf32, #tpu.memory_space<vmem>>, vector<1x16xf32>,
      %swap3A_844 = vector.shape_cast %swap3A_843 : vector<1x16xf32> to vector<16xf32>
      %swap3A_845 = vector.shape_cast %get3A_30 : vector<16xf32> to vector<1x16xf32>
      tpu.vector_store %arg11[%swap3A_841, %swap3A_842], %swap3A_845 {strides = array<i32>} : memref<16x128xf32, #tpu.memory_space<vmem>>, vector<1x16xf32>,
      %swap3A_846 = arith.constant 15 : i32
      %swap3A_847 = arith.index_cast %swap3A_846 : i32 to index
      %swap3A_848 = arith.constant 96 : index
      %swap3A_849 = tpu.vector_load %arg11[%swap3A_847, %swap3A_848] {strides = array<i32>} : memref<16x128xf32, #tpu.memory_space<vmem>>, vector<1x16xf32>,
      %swap3A_850 = vector.shape_cast %swap3A_849 : vector<1x16xf32> to vector<16xf32>
      %swap3A_851 = vector.shape_cast %get3A_85 : vector<16xf32> to vector<1x16xf32>
      tpu.vector_store %arg11[%swap3A_847, %swap3A_848], %swap3A_851 {strides = array<i32>} : memref<16x128xf32, #tpu.memory_space<vmem>>, vector<1x16xf32>,
      %swap3A_852 = arith.constant 15 : i32
      %swap3A_853 = arith.index_cast %swap3A_852 : i32 to index
      %swap3A_854 = arith.constant 112 : index
      %swap3A_855 = tpu.vector_load %arg11[%swap3A_853, %swap3A_854] {strides = array<i32>} : memref<16x128xf32, #tpu.memory_space<vmem>>, vector<1x16xf32>,
      %swap3A_856 = vector.shape_cast %swap3A_855 : vector<1x16xf32> to vector<16xf32>
      %swap3A_857 = vector.shape_cast %get3A_90 : vector<16xf32> to vector<1x16xf32>
      tpu.vector_store %arg11[%swap3A_853, %swap3A_854], %swap3A_857 {strides = array<i32>} : memref<16x128xf32, #tpu.memory_space<vmem>>, vector<1x16xf32>,
      %lt3A_858 = arith.constant 12 : i32
      %lt3A_859 = arith.cmpi slt, %arg1, %lt3A_858 : i32
      %convert_element_type3A_860 = arith.extui %lt3A_859 : i1 to i32
      %cond3A_861 = arith.constant 0 : i32
      %cond3A_862 = arith.cmpi ne, %convert_element_type3A_860, %cond3A_861 : i32
      scf.if %cond3A_862 {
        %mul3A = arith.constant 8 : i32
        %mul3A_867 = arith.muli %arg1, %mul3A : i32
        %rem3A = arith.constant 12 : i32
        %rem3A_868 = arith.remsi %mul3A_867, %rem3A : i32
        "tpu.region"() ({
          %run_scoped3A = tpu.sem_alloc : memref<!tpu.dma_semaphore, #tpu.memory_space<semaphore_mem>>
          %dma_start3A = arith.constant 0 : i32
          %dma_start3A_869 = tpu.memref_slice %arg11[%rem3A_868, %dma_start3A] : memref<16x128xf32, #tpu.memory_space<vmem>> -> memref<8x128xf32, #tpu.memory_space<vmem>>
          %dma_start3A_870 = arith.constant 0 : i32
          %dma_start3A_871 = tpu.memref_slice %arg6[%mul3A_867, %dma_start3A_870] : memref<100x128xf32, #tpu.memory_space<hbm>> -> memref<8x128xf32, #tpu.memory_space<hbm>>
          %dma_start3A_872 = arith.constant 0 : i32
          %dma_start3A_873 = tpu.memref_slice %arg6[%mul3A_867, %dma_start3A_872] : memref<100x128xf32, #tpu.memory_space<hbm>> -> memref<8x128xf32, #tpu.memory_space<hbm>>
          %dma_start3A_874 = arith.constant 0 : i32
          %dma_start3A_875 = tpu.memref_slice %arg11[%rem3A_868, %dma_start3A_874] : memref<16x128xf32, #tpu.memory_space<vmem>> -> memref<8x128xf32, #tpu.memory_space<vmem>>
          tpu.enqueue_dma source(%dma_start3A_875 : memref<8x128xf32, #tpu.memory_space<vmem>>) target(%dma_start3A_873 : memref<8x128xf32, #tpu.memory_space<hbm>>) target_semaphore(%run_scoped3A : memref<!tpu.dma_semaphore, #tpu.memory_space<semaphore_mem>>)
          %dma_wait3A = arith.constant 0 : i32
          %dma_wait3A_876 = tpu.memref_slice %arg11[%rem3A_868, %dma_wait3A] : memref<16x128xf32, #tpu.memory_space<vmem>> -> memref<8x128xf32, #tpu.memory_space<vmem>>
          %dma_wait3A_877 = arith.constant 0 : i32
          %dma_wait3A_878 = tpu.memref_slice %arg6[%mul3A_867, %dma_wait3A_877] : memref<100x128xf32, #tpu.memory_space<hbm>> -> memref<8x128xf32, #tpu.memory_space<hbm>>
          %dma_wait3A_879 = arith.constant 0 : i32
          %dma_wait3A_880 = tpu.memref_slice %arg6[%mul3A_867, %dma_wait3A_879] : memref<100x128xf32, #tpu.memory_space<hbm>> -> memref<8x128xf32, #tpu.memory_space<hbm>>
          %dma_wait3A_881 = arith.constant 0 : i32
          %dma_wait3A_882 = tpu.memref_slice %arg11[%rem3A_868, %dma_wait3A_881] : memref<16x128xf32, #tpu.memory_space<vmem>> -> memref<8x128xf32, #tpu.memory_space<vmem>>
          tpu.wait_dma2 semaphore(%run_scoped3A : memref<!tpu.dma_semaphore, #tpu.memory_space<semaphore_mem>>) src(%dma_wait3A_882 : memref<8x128xf32, #tpu.memory_space<vmem>>) dst(%dma_wait3A_880 : memref<8x128xf32, #tpu.memory_space<hbm>>)
          tpu.yield
        }) : () -> ()
      } else {
      }
      %eq3A = arith.constant 12 : i32
      %eq3A_863 = arith.cmpi eq, %arg1, %eq3A : i32
      %convert_element_type3A_864 = arith.extui %eq3A_863 : i1 to i32
      %cond3A_865 = arith.constant 0 : i32
      %cond3A_866 = arith.cmpi ne, %convert_element_type3A_864, %cond3A_865 : i32
      scf.if %cond3A_866 {
        "tpu.region"() ({
          %run_scoped3A = tpu.sem_alloc : memref<!tpu.dma_semaphore, #tpu.memory_space<semaphore_mem>>
          %dma_start3A = arith.constant 0 : i32
          %dma_start3A_867 = arith.constant 0 : i32
          %dma_start3A_868 = tpu.memref_slice %arg11[%dma_start3A, %dma_start3A_867] : memref<16x128xf32, #tpu.memory_space<vmem>> -> memref<4x128xf32, #tpu.memory_space<vmem>>
          %dma_start3A_869 = arith.constant 96 : i32
          %dma_start3A_870 = arith.constant 0 : i32
          %dma_start3A_871 = tpu.memref_slice %arg6[%dma_start3A_869, %dma_start3A_870] : memref<100x128xf32, #tpu.memory_space<hbm>> -> memref<4x128xf32, #tpu.memory_space<hbm>>
          %dma_start3A_872 = arith.constant 96 : i32
          %dma_start3A_873 = arith.constant 0 : i32
          %dma_start3A_874 = tpu.memref_slice %arg6[%dma_start3A_872, %dma_start3A_873] : memref<100x128xf32, #tpu.memory_space<hbm>> -> memref<4x128xf32, #tpu.memory_space<hbm>>
          %dma_start3A_875 = arith.constant 0 : i32
          %dma_start3A_876 = arith.constant 0 : i32
          %dma_start3A_877 = tpu.memref_slice %arg11[%dma_start3A_875, %dma_start3A_876] : memref<16x128xf32, #tpu.memory_space<vmem>> -> memref<4x128xf32, #tpu.memory_space<vmem>>
          tpu.enqueue_dma source(%dma_start3A_877 : memref<4x128xf32, #tpu.memory_space<vmem>>) target(%dma_start3A_874 : memref<4x128xf32, #tpu.memory_space<hbm>>) target_semaphore(%run_scoped3A : memref<!tpu.dma_semaphore, #tpu.memory_space<semaphore_mem>>)
          %dma_wait3A = arith.constant 0 : i32
          %dma_wait3A_878 = arith.constant 0 : i32
          %dma_wait3A_879 = tpu.memref_slice %arg11[%dma_wait3A, %dma_wait3A_878] : memref<16x128xf32, #tpu.memory_space<vmem>> -> memref<4x128xf32, #tpu.memory_space<vmem>>
          %dma_wait3A_880 = arith.constant 96 : i32
          %dma_wait3A_881 = arith.constant 0 : i32
          %dma_wait3A_882 = tpu.memref_slice %arg6[%dma_wait3A_880, %dma_wait3A_881] : memref<100x128xf32, #tpu.memory_space<hbm>> -> memref<4x128xf32, #tpu.memory_space<hbm>>
          %dma_wait3A_883 = arith.constant 96 : i32
          %dma_wait3A_884 = arith.constant 0 : i32
          %dma_wait3A_885 = tpu.memref_slice %arg6[%dma_wait3A_883, %dma_wait3A_884] : memref<100x128xf32, #tpu.memory_space<hbm>> -> memref<4x128xf32, #tpu.memory_space<hbm>>
          %dma_wait3A_886 = arith.constant 0 : i32
          %dma_wait3A_887 = arith.constant 0 : i32
          %dma_wait3A_888 = tpu.memref_slice %arg11[%dma_wait3A_886, %dma_wait3A_887] : memref<16x128xf32, #tpu.memory_space<vmem>> -> memref<4x128xf32, #tpu.memory_space<vmem>>
          tpu.wait_dma2 semaphore(%run_scoped3A : memref<!tpu.dma_semaphore, #tpu.memory_space<semaphore_mem>>) src(%dma_wait3A_888 : memref<4x128xf32, #tpu.memory_space<vmem>>) dst(%dma_wait3A_885 : memref<4x128xf32, #tpu.memory_space<hbm>>)
          tpu.yield
        }) : () -> ()
      } else {
      }
    } else {
    }
    return
  }
}

</mosaic_0001>

<sc_bundles>
// kernel: kernel.3.cloned.1.call-start
scs
__scs_entry_jumppad:
0x0: {  	(pc) =	sbr.rel $0x88, $3  }
0x1: {  	(tag) =	ssettag $0x0;
	lr =	simm.s32 $0x1  }
0x2: {  	[smem:$0x3F9D] =	sst lr;
	_ =	strace $0xD0000000  }
0x3: {  	_ = 	snop  }
0x4: {  	_ = 	snop  }
0x5: {  	_ = 	snop  }
0x6: {  	_ = 	snop  }
0x7: {  	_ = 	snop  }
__scs_overlays_trampoline_lowered:
0x8: {  	[smem:$0x3FAC] =	sst s0  }
0x9: {  	[smem:$0x3FAD] =	sst s1  }
0xa: {  	[smem:$0x3FAE] =	sst s2  }
0xb: {  	[smem:$0x3FAF] =	sst s3  }
0xc: {  	[smem:$0x3FB0] =	sst s4  }
0xd: {  	[smem:$0x3FB1] =	sst s5  }
0xe: {  	[smem:$0x3FB2] =	sst s6  }
0xf: {  	[smem:$0x3FB3] =	sst s7  }
0x10: {  	[smem:$0x3FB4] =	sst s8  }
0x11: {  	[smem:$0x3FB5] =	sst s9;
	s0 =	simm.s32 @!p0 $0x0  }
0x12: {  	s1 =	sld [smem:$0x3F9B];
	s0 =	simm.s32 @p0 $0x1  }
0x13: {  	[smem:$0x3FB6] =	sst s0;
	s0 =	simm.s32 @!p1 $0x0  }
0x14: {  	s2 =	sld [smem:$0x3F9A];
	s0 =	simm.s32 @p1 $0x1  }
0x15: {  	[smem:$0x3FB7] =	sst s0;
	s0 =	simm.s32 @!p2 $0x0  }
0x16: {  	s3 =	sld [smem:$0x3FDB];
	s0 =	simm.s32 @p2 $0x1  }
0x17: {  	s4 =	simm.s32 $0x1BF5;
	[smem:$0x3FB9] =	sst s0  }
0x18: {  	s0 =	sld [smem:$0x3F9C];
	_ =	swait.ge [sflag:s4], $0x0  }
0x19: {  	s7 =	sld [smem:$0x3F9D]  }
0x1a: {  	s8 =	sadd.s32 $0xFFFFE003, lr  }
0x1b: {  	s9 =	sadd.s32 $0xFFFFFEF7, lr;
	s5 =	simm.s32 $0xFFFFFFFF;
	p2 =	slt.u32 s8, $0xFFFFF086  }
0x1c: {  	p1 =	slt.u32 s9, $0xF7A;
	s5 =	simm.s32 @!p2 $0x0  }
0x1d: {  	s5 =	simm.s32 @p1 $0x1;
	p0 =	seq.s32 s7, s2  }
0x1e: {  	s7 =	smul.u32 @!p0 $0xF7A, s2;
	p2 =	seq.s32 @!p0 s5, $0x0  }
0x1f: {  	s9 =	smul.u32 $0xF7A, s1;
	s8 =	simm.s32 @!p0 $0x1BF5;
	p2 =	por !p2, p0  }
0x20: {  	[sflag:s8] =	ssyncset.s32 @!p0 $0xFFFFF086;
	s6 =	sadd.s32 @!p0 s3, s7;
	s7 =	simm.s32 @!p0 $0x108  }
0x21: {  	s3 =	sadd.s32 s3, s9;
	s6 =	sadd.s32 @!p0 $0x88, s6;
	s7 =	simm.s32 @p2 $0x1082  }
0x22: {  	[simem:s7], [sflag:s8] =	dma.local @!p0 [hbm:s6], $0xF7A  }
0x23: {  	s9 =	sor.u32 $0xD0000000, s2;
	s6 =	simm.s32 $0x108;
	_ =	swait.ge @!p0 [sflag:s8], $0x0  }
0x24: {  	s3 =	sadd.s32 $0x88, s3;
	s6 =	simm.s32 @!p1 $0x1082;
	[sflag:s4] =	ssyncset.s32 $0xFFFFF086  }
0x25: {  	[simem:s6], [sflag:s4] =	dma.local [hbm:s3], $0xF7A  }
0x26: {  	[smem:$0x3F9D] =	sst s1;
	(tag) =	ssettag s2;
	_ =	strace s9  }
0x27: {  	s1 =	sld [smem:$0x3FAD]  }
0x28: {  	s2 =	sld [smem:$0x3FAE]  }
0x29: {  	s4 =	sld [smem:$0x3FB0]  }
0x2a: {  	p0 =	seq.s32 s5, $0x0;
	s5 =	sld [smem:$0x3FB1]  }
0x2b: {  	s6 =	sld [smem:$0x3FB2]  }
0x2c: {  	s7 =	sld [smem:$0x3FB3]  }
0x2d: {  	s3 =	simm.s32 $0x108;
	s8 =	sld [smem:$0x3FB4]  }
0x2e: {  	s3 =	simm.s32 @!p0 $0x1082;
	s9 =	sld [smem:$0x3FB5]  }
0x2f: {  	lr =	sadd.s32 s0, s3;
	s0 =	sld [smem:$0x3FAC]  }
0x30: {  	s3 =	sld [smem:$0x3FAF]  }
0x31: {  	[smem:$0x3FB8] =	sst s10  }
0x32: {  	s10 =	sld [smem:$0x3FB6];
	_ =	sdelay $0x3  }
0x33: {  	p0 =	seq.s32 s10, $0x1;
	s10 =	sld [smem:$0x3FB8];
	_ =	sdelay $0x3  }
0x34: {  	[smem:$0x3FB8] =	sst s10  }
0x35: {  	s10 =	sld [smem:$0x3FB7];
	_ =	sdelay $0x3  }
0x36: {  	p1 =	seq.s32 s10, $0x1;
	s10 =	sld [smem:$0x3FB8];
	_ =	sdelay $0x3  }
0x37: {  	[smem:$0x3FB8] =	sst s10  }
0x38: {  	s10 =	sld [smem:$0x3FB9]  }
0x39: {  	_ = 	snop;
	(pc) =	sbr.ind lr, $3  }
0x3a: {  	_ = 	snop  }
0x3b: {  	_ = 	snop  }
0x3c: {  	p2 =	seq.s32 s10, $0x1;
	s10 =	sld [smem:$0x3FB8]  }
0x3d: {  	_ =	shalt  }
0x3e: {  	_ =	shalt  }
0x3f: {  	_ =	shalt  }
0x40: {  	_ =	shalt  }
0x41: {  	_ =	shalt  }
0x42: {  	_ =	shalt  }
0x43: {  	_ =	shalt  }
0x44: {  	_ =	shalt  }
0x45: {  	_ =	shalt  }
0x46: {  	_ =	shalt  }
0x47: {  	_ =	shalt  }
0x48: {  	_ =	shalt  }
0x49: {  	_ =	shalt  }
0x4a: {  	_ =	shalt  }
0x4b: {  	_ =	shalt  }
0x4c: {  	_ =	shalt  }
0x4d: {  	_ =	shalt  }
0x4e: {  	_ =	shalt  }
0x4f: {  	_ =	shalt  }
0x50: {  	_ =	shalt  }
0x51: {  	_ =	shalt  }
0x52: {  	_ =	shalt  }
0x53: {  	_ =	shalt  }
0x54: {  	_ =	shalt  }
0x55: {  	_ =	shalt  }
0x56: {  	_ =	shalt  }
0x57: {  	_ =	shalt  }
0x58: {  	_ =	shalt  }
0x59: {  	_ =	shalt  }
0x5a: {  	_ =	shalt  }
0x5b: {  	_ =	shalt  }
0x5c: {  	_ =	shalt  }
0x5d: {  	_ =	shalt  }
0x5e: {  	_ =	shalt  }
0x5f: {  	_ =	shalt  }
0x60: {  	_ =	shalt  }
0x61: {  	_ =	shalt  }
0x62: {  	_ =	shalt  }
0x63: {  	_ =	shalt  }
0x64: {  	_ =	shalt  }
0x65: {  	_ =	shalt  }
0x66: {  	_ =	shalt  }
0x67: {  	_ =	shalt  }
0x68: {  	_ =	shalt  }
0x69: {  	_ =	shalt  }
0x6a: {  	_ =	shalt  }
0x6b: {  	_ =	shalt  }
0x6c: {  	_ =	shalt  }
0x6d: {  	_ =	shalt  }
0x6e: {  	_ =	shalt  }
0x6f: {  	_ =	shalt  }
0x70: {  	_ =	shalt  }
0x71: {  	_ =	shalt  }
0x72: {  	_ =	shalt  }
0x73: {  	_ =	shalt  }
0x74: {  	_ =	shalt  }
0x75: {  	_ =	shalt  }
0x76: {  	_ =	shalt  }
0x77: {  	_ =	shalt  }
0x78: {  	_ =	shalt  }
0x79: {  	_ =	shalt  }
0x7a: {  	_ =	shalt  }
0x7b: {  	_ =	shalt  }
0x7c: {  	_ =	shalt  }
0x7d: {  	_ =	shalt  }
0x7e: {  	_ =	shalt  }
0x7f: {  	_ =	shalt  }
0x80: {  	_ =	shalt  }
0x81: {  	_ =	shalt  }
0x82: {  	_ =	shalt  }
0x83: {  	_ =	shalt  }
0x84: {  	_ =	shalt  }
0x85: {  	_ =	shalt  }
0x86: {  	_ =	shalt  }
0x87: {  	_ =	shalt  }
.Lfunc_end0:
.L_simem_size_0:
called_computation_lowered:
.L_overlay_start_0:
0x88: {  	s0 =	sld [smem:$0x3FD9]  }
0x89: {  	s1 =	sld [smem:$0x3FFE];
	_ =	sdelay $0x3  }
0x8a: {  	s0 =	sadd.s32 s1, s0  }
0x8b: {  	[smem:$0x3FC4] =	sst s0  }
0x8c: {  	_ = 	snop  }
0x8d: {  	s0 =	sld [smem:$0x3FC9]  }
0x8e: {  	s17 =	sld [smem:$0x3FC8]  }
0x8f: {  	s2 =	sld [smem:$0x3FC7]  }
0x90: {  	s3 =	sld [smem:$0x3FC6]  }
0x91: {  	s4 =	sld [smem:$0x3FD0];
	(tm) =	ssettm $0x1  }
0x92: {  	s5 =	sld [smem:$0x3FFB];
	_ =	sdelay $0x3  }
0x93: {  	_ =	strace s5  }
0x94: {  	s5 =	sld [smem:$0x3FFC];
	_ =	sdelay $0x3  }
0x95: {  	_ =	strace s5  }
0x96: {  	s5 =	sld [smem:$0x3FFD];
	_ =	sdelay $0x3  }
0x97: {  	_ =	strace s5  }
0x98: {  	_ =	strace $0x8FFFFFFF  }
0x99: {  	s18 =	sld [smem:$0x3FDB];
	_ =	sdelay $0x1  }
0x9a: {  	s6 =	simm.s32 $_scs_section_size  }
0x9b: {  	s7 =	simm.s32 $_size__tile_overlayer_lowered;
	s8 =	simm.s32 $_tile_overlayer_lowered  }
0x9c: {  	s21 =	simm.s32 $0x1BFF;
	s20 =	sshll.u32 s8, $0x1;
	s5 =	sadd.s32 s6, s18  }
0x9d: {  	s9 =	simm.s32 $0x0;
	s19 =	sshll.u32 s7, $0x1;
	s7 =	sadd.s32 s20, s5  }
0x9e: {  	[timem:s9], [sflag:s21] =	dma.local [hbm:s7], s19  }
0x9f: {  	_ =	swait.ge [sflag:s21], s19  }
0xa0: {  	s6 =	ssub.s32 $0x0, s19;
	[sflag:s21] =	ssyncset.done $0x0  }
0xa1: {  	[sflag:s21] =	ssyncadd.s32 s6;
	_ =	sdelay $0x1  }
0xa2: {  	s22 =	simm.s32 $0x1B8B  }
0xa3: {  	_ =	swait.ge [sflag:s22], $0x1  }
0xa4: {  	[sflag:s22] =	ssyncset.done $0x0  }
0xa5: {  	s23 =	simm.s32 $0x1B8E;
	[sflag:s22] =	ssyncadd.s32 $0xFFFFFFFF  }
0xa6: {  	s24 =	simm.s32 $execute0_lowered;
	[smem:$0x3FD2] =	sst s23  }
0xa7: {  	s6 =	sshll.u32 s24, $0x1;
	_ =	strace $0x80000046;
	[dreg:$0x1] =	wrdreg $0xFFFFFFFF  }
0xa8: {  	s25 =	simm.s32 $_size_execute0_lowered;
	s5 =	sadd.s32 s5, s6;
	[dreg:$0x0] =	wrdreg $0x0  }
0xa9: {  	s6 =	sshll.u32 s25, $0x1;
	[dreg:$0x2] =	wrdreg s5  }
0xaa: {  	[dreg:$0x3] =	wrdreg s6  }
0xab: {  	[dreg:$0x4] =	wrdreg $0xC0  }
0xac: {  	_ =	task [dreg:s9], $0x5FFFF  }
0xad: {  	[dreg:$0x1] =	wrdreg $0xFFFFFFFF  }
0xae: {  	[dreg:$0x0] =	wrdreg $0x60  }
0xaf: {  	[dreg:$0x2] =	wrdreg s0  }
0xb0: {  	[dreg:$0x3] =	wrdreg s17  }
0xb1: {  	[dreg:$0x4] =	wrdreg s2  }
0xb2: {  	[dreg:$0x5] =	wrdreg s3  }
0xb3: {  	[dreg:$0x6] =	wrdreg s4  }
0xb4: {  	[dreg:$0x7] =	wrdreg $0x9  }
0xb5: {  	_ =	task.clear_ibuf [dreg:s9], $0x8FFFF;
	_ =	strace $0x90000046  }
0xb6: {  	s26 =	simm.s32 $0x9;
	_ =	strace $0x80000048  }
0xb7: {  	_ =	swait.ge [sflag:s26], $0x1  }
0xb8: {  	[sflag:s26] =	ssyncadd.s32 $0xFFFFFFFF  }
0xb9: {  	_ =	strace $0x90000048  }
0xba: {  	_ =	sfence  }
0xbb: {  	s28 =	sld [smem:$0x0];
	_ =	sdelay $0x1  }
0xbc: {  	s29 =	srdreg.scid  }
0xbd: {  	s30 =	sshll.u32 s29, $0xD;
	s31 =	sshrl.u32 s29, $0x2  }
0xbe: {  	s1 =	sand.u32 $0x1, s29;
	s2 =	sand.u32 $0x4000, s30;
	s0 =	sadd.s32 s31, s28  }
0xbf: {  	s1 =	sor.u32 s2, s1;
	s0 =	sshll.u32 s0, $0x11  }
0xc0: {  	s0 =	sor.u32 s0, s1  }
0xc1: {  	s0 =	sadd.s32 $0x8F2B, s0  }
0xc2: {  	[sflag:s0] =	ssyncadd.remote.s32 $0x1  }
0xc3: {  	_ =	sfence.sel $0xFFFF  }
0xc4: {  	[dreg:$0x0] =	wrdreg $0xFFFFFFFF;
	(pc) =	sbr.abs _section_cstart, $3  }
0xc5: {  	[dreg:$0x1] =	wrdreg $0xFFFFFFFF  }
0xc6: {  	_ =	task.clear_ibuf [dreg:s9], $0x2FFFF;
	_ =	strace $0x9FFFFFFF  }
0xc7: {  	(tm) =	ssettm $0x7FFFFFFF  }
tec
execute0_lowered:
.L_overlay_start_1:
0x0: {  	(tag) =	ssettag $0x1  }
0x1: {  	s6 =	rddreg [dreg:$0x0];
	s1 =	stileid.u32  }
0x2: {  	s5 =	rddreg [dreg:$0x1];
	p0 =	sgt.u32 s1, $0xC  }
.Ltmp0:
0x3: {  	s4 =	rddreg [dreg:$0x2];
	(pc) =	sbr.rel @p0 .LBB2_2-.Ltmp0, $4  }
0x4: {  	s3 =	rddreg [dreg:$0x3]  }
0x5: {  	s2 =	rddreg [dreg:$0x4];
	s7 =	simm.s32 $0x0  }
0x6: {  	[smem:$0x7FF] =	sst s7  }
0x7: {  	s0 =	rddreg [dreg:$0x5];
	_ =	strace $0x80000047  }
0x8: {  	[tilespmem:s7], [sflag:$0x1] =	stream.linear.gather [hbm4b:s6+s7], $0x80, $0x38;
	[tilespmem:$0xF00] =	vst v63  }
0x9: {  	s28 =	simm.s32 $0x80  }
0xa: {  	[tilespmem:s28], [sflag:$0x1] =	stream.linear.gather [hbm4b:s5+s7], $0x80, $0x38;
	[tilespmem:$0xF00] =	vst v63  }
0xb: {  	s29 =	simm.s32 $0x100  }
0xc: {  	[tilespmem:s29], [sflag:$0x1] =	stream.linear.gather [hbm4b:s4+s7], $0x200, $0x38;
	[tilespmem:$0xF00] =	vst v63  }
0xd: {  	s30 =	simm.s32 $0x300;
	s31 =	simm.s32 $0x1  }
0xe: {  	[tilespmem:s30], [sflag:$0x1] =	stream.linear.gather [hbm4b:s3+s7], $0x280, $0x38;
	[tilespmem:$0xF00] =	vst v63  }
0xf: {  	_ =	swait.ge [sflag:s31], $0x80  }
0x10: {  	[sflag:s31] =	ssyncset.done $0x0  }
0x11: {  	[sflag:s31] =	ssyncadd.s32 $0xFFFFFF80  }
0x12: {  	_ =	swait.ge [sflag:s31], $0x80  }
0x13: {  	[sflag:s31] =	ssyncset.done $0x0  }
0x14: {  	[sflag:s31] =	ssyncadd.s32 $0xFFFFFF80  }
0x15: {  	_ =	swait.ge [sflag:s31], $0x200  }
0x16: {  	[sflag:s31] =	ssyncset.done $0x0  }
0x17: {  	[sflag:s31] =	ssyncadd.s32 $0xFFFFFE00  }
0x18: {  	_ =	swait.ge [sflag:s31], $0x280  }
0x19: {  	[sflag:s31] =	ssyncset.done $0x0  }
0x1a: {  	[sflag:s31] =	ssyncadd.s32 $0xFFFFFD80  }
0x1b: {  	v1 =	vld [tilespmem:$0x0]  }
0x1c: {  	v2 =	vld [tilespmem:$0x10]  }
0x1d: {  	v3 =	vld [tilespmem:$0x80]  }
0x1e: {  	v4 =	vld [tilespmem:$0x90]  }
0x1f: {  	v5 =	vld [tilespmem:$0x100]  }
0x20: {  	v0 =	vld [tilespmem:$0x110];
	[tilespmem:$0x700] =	vst v1  }
0x21: {  	v6 =	vld [tilespmem:$0x300];
	[tilespmem:$0x710] =	vst v2  }
0x22: {  	v7 =	vld [tilespmem:$0x310];
	[tilespmem:$0x720] =	vst v3  }
0x23: {  	[tilespmem:$0x730] =	vst v4  }
0x24: {  	[tilespmem:$0x740] =	vst v5  }
0x25: {  	[tilespmem:$0x750] =	vst v0  }
0x26: {  	[tilespmem:$0x760] =	vst v6  }
0x27: {  	v8 =	vld [tilespmem:$0x180];
	[tilespmem:$0x770] =	vst v7  }
0x28: {  	v9 =	vld [tilespmem:$0x190];
	[tilespmem:$0x780] =	vst v1  }
0x29: {  	v10 =	vld [tilespmem:$0x380];
	[tilespmem:$0x790] =	vst v2  }
0x2a: {  	v11 =	vld [tilespmem:$0x390];
	[tilespmem:$0x7A0] =	vst v3  }
0x2b: {  	[tilespmem:$0x7B0] =	vst v4  }
0x2c: {  	[tilespmem:$0x7C0] =	vst v8  }
0x2d: {  	[tilespmem:$0x7D0] =	vst v9  }
0x2e: {  	[tilespmem:$0x7E0] =	vst v10  }
0x2f: {  	v12 =	vld [tilespmem:$0x200];
	[tilespmem:$0x7F0] =	vst v11  }
0x30: {  	v13 =	vld [tilespmem:$0x210];
	[tilespmem:$0x800] =	vst v1  }
0x31: {  	v14 =	vld [tilespmem:$0x400];
	[tilespmem:$0x810] =	vst v2  }
0x32: {  	v15 =	vld [tilespmem:$0x410];
	[tilespmem:$0x820] =	vst v3  }
0x33: {  	[tilespmem:$0x830] =	vst v4  }
0x34: {  	[tilespmem:$0x840] =	vst v12  }
0x35: {  	[tilespmem:$0x850] =	vst v13  }
0x36: {  	[tilespmem:$0x860] =	vst v14  }
0x37: {  	[tilespmem:$0x870] =	vst v15  }
0x38: {  	[tilespmem:$0x880] =	vst v1  }
0x39: {  	v16 =	vld [tilespmem:$0x480];
	[tilespmem:$0x890] =	vst v2  }
0x3a: {  	v17 =	vld [tilespmem:$0x490];
	[tilespmem:$0x8A0] =	vst v3  }
0x3b: {  	[tilespmem:$0x8B0] =	vst v4  }
0x3c: {  	[tilespmem:$0x8C0] =	vst v5  }
0x3d: {  	[tilespmem:$0x8D0] =	vst v0  }
0x3e: {  	[tilespmem:$0x8E0] =	vst v16  }
0x3f: {  	[tilespmem:$0x8F0] =	vst v17  }
0x40: {  	[tilespmem:$0x900] =	vst v1  }
0x41: {  	[tilespmem:$0x910] =	vst v2  }
0x42: {  	[tilespmem:$0x920] =	vst v3  }
0x43: {  	[tilespmem:$0x930] =	vst v4  }
0x44: {  	[tilespmem:$0x940] =	vst v8  }
0x45: {  	[tilespmem:$0x950] =	vst v9  }
0x46: {  	[tilespmem:$0x960] =	vst v6  }
0x47: {  	[tilespmem:$0x970] =	vst v7  }
0x48: {  	[tilespmem:$0x980] =	vst v1  }
0x49: {  	[tilespmem:$0x990] =	vst v2  }
0x4a: {  	[tilespmem:$0x9A0] =	vst v3  }
0x4b: {  	[tilespmem:$0x9B0] =	vst v4  }
0x4c: {  	[tilespmem:$0x9C0] =	vst v12  }
0x4d: {  	[tilespmem:$0x9D0] =	vst v13  }
0x4e: {  	[tilespmem:$0x9E0] =	vst v10  }
0x4f: {  	[tilespmem:$0x9F0] =	vst v11  }
0x50: {  	[tilespmem:$0xA00] =	vst v1  }
0x51: {  	[tilespmem:$0xA10] =	vst v2  }
0x52: {  	[tilespmem:$0xA20] =	vst v3  }
0x53: {  	[tilespmem:$0xA30] =	vst v4  }
0x54: {  	[tilespmem:$0xA40] =	vst v5  }
0x55: {  	[tilespmem:$0xA50] =	vst v0  }
0x56: {  	[tilespmem:$0xA60] =	vst v14  }
0x57: {  	[tilespmem:$0xA70] =	vst v15  }
0x58: {  	[tilespmem:$0xA80] =	vst v1  }
0x59: {  	[tilespmem:$0xA90] =	vst v2  }
0x5a: {  	[tilespmem:$0xAA0] =	vst v3  }
0x5b: {  	[tilespmem:$0xAB0] =	vst v4  }
0x5c: {  	[tilespmem:$0xAC0] =	vst v8  }
0x5d: {  	[tilespmem:$0xAD0] =	vst v9  }
0x5e: {  	[tilespmem:$0xAE0] =	vst v16  }
0x5f: {  	[tilespmem:$0xAF0] =	vst v17  }
0x60: {  	[tilespmem:$0xB00] =	vst v1  }
0x61: {  	[tilespmem:$0xB10] =	vst v2  }
0x62: {  	[tilespmem:$0xB20] =	vst v3  }
0x63: {  	[tilespmem:$0xB30] =	vst v4  }
0x64: {  	[tilespmem:$0xB40] =	vst v12  }
0x65: {  	[tilespmem:$0xB50] =	vst v13  }
0x66: {  	[tilespmem:$0xB60] =	vst v6  }
0x67: {  	[tilespmem:$0xB70] =	vst v7  }
0x68: {  	[tilespmem:$0xB80] =	vst v1  }
0x69: {  	[tilespmem:$0xB90] =	vst v2  }
0x6a: {  	[tilespmem:$0xBA0] =	vst v3  }
0x6b: {  	[tilespmem:$0xBB0] =	vst v4  }
0x6c: {  	[tilespmem:$0xBC0] =	vst v5  }
0x6d: {  	[tilespmem:$0xBD0] =	vst v0  }
0x6e: {  	[tilespmem:$0xBE0] =	vst v10  }
0x6f: {  	[tilespmem:$0xBF0] =	vst v11  }
0x70: {  	[tilespmem:$0xC00] =	vst v1  }
0x71: {  	[tilespmem:$0xC10] =	vst v2  }
0x72: {  	[tilespmem:$0xC20] =	vst v3  }
0x73: {  	[tilespmem:$0xC30] =	vst v4  }
0x74: {  	[tilespmem:$0xC40] =	vst v8  }
0x75: {  	[tilespmem:$0xC50] =	vst v9  }
0x76: {  	[tilespmem:$0xC60] =	vst v14  }
0x77: {  	[tilespmem:$0xC70] =	vst v15  }
0x78: {  	[tilespmem:$0xC80] =	vst v1  }
0x79: {  	[tilespmem:$0xC90] =	vst v2  }
0x7a: {  	[tilespmem:$0xCA0] =	vst v3  }
0x7b: {  	[tilespmem:$0xCB0] =	vst v4  }
0x7c: {  	[tilespmem:$0xCC0] =	vst v12  }
0x7d: {  	[tilespmem:$0xCD0] =	vst v13  }
0x7e: {  	[tilespmem:$0xCE0] =	vst v16  }
0x7f: {  	[tilespmem:$0xCF0] =	vst v17  }
0x80: {  	[tilespmem:$0xD00] =	vst v1  }
0x81: {  	[tilespmem:$0xD10] =	vst v2  }
0x82: {  	[tilespmem:$0xD20] =	vst v3  }
0x83: {  	[tilespmem:$0xD30] =	vst v4  }
0x84: {  	[tilespmem:$0xD40] =	vst v5  }
0x85: {  	[tilespmem:$0xD50] =	vst v0  }
0x86: {  	[tilespmem:$0xD60] =	vst v6  }
0x87: {  	[tilespmem:$0xD70] =	vst v7  }
0x88: {  	[tilespmem:$0xD80] =	vst v1  }
0x89: {  	[tilespmem:$0xD90] =	vst v2  }
0x8a: {  	[tilespmem:$0xDA0] =	vst v3  }
0x8b: {  	[tilespmem:$0xDB0] =	vst v4  }
0x8c: {  	[tilespmem:$0xDC0] =	vst v8  }
0x8d: {  	[tilespmem:$0xDD0] =	vst v9  }
0x8e: {  	[tilespmem:$0xDE0] =	vst v10  }
0x8f: {  	[tilespmem:$0xDF0] =	vst v11  }
0x90: {  	[tilespmem:$0xE00] =	vst v1  }
0x91: {  	[tilespmem:$0xE10] =	vst v2  }
0x92: {  	[tilespmem:$0xE20] =	vst v3  }
0x93: {  	[tilespmem:$0xE30] =	vst v4  }
0x94: {  	[tilespmem:$0xE40] =	vst v12  }
0x95: {  	[tilespmem:$0xE50] =	vst v13  }
0x96: {  	[tilespmem:$0xE60] =	vst v14  }
0x97: {  	[tilespmem:$0xE70] =	vst v15  }
0x98: {  	[tilespmem:$0xE80] =	vst v1  }
0x99: {  	[tilespmem:$0xE90] =	vst v2  }
0x9a: {  	[tilespmem:$0xEA0] =	vst v3  }
0x9b: {  	[tilespmem:$0xEB0] =	vst v4  }
0x9c: {  	[tilespmem:$0xEC0] =	vst v5  }
0x9d: {  	p0 =	seq.s32 s1, $0xC;
	[tilespmem:$0xED0] =	vst v0  }
0x9e: {  	s6 =	smul.u32 @!p0 $0x158, s1;
	[tilespmem:$0xEE0] =	vst v16  }
0x9f: {  	s5 =	simm.s32 @p0 $0x700;
	s4 =	simm.s32 @p0 $0x0;
	s3 =	sadd.s32 @p0 $0x600, s2;
	[tilespmem:$0xEF0] =	vst v17  }
0xa0: {  	[hbm4b:s3+s4] =	stream.linear.scatter @p0 [tilespmem:s5], [sflag:$0x2], $0x200, $0x38;
	[tilespmem:$0xF00] =	vst v63  }
0xa1: {  	s3 =	sshrl.u32 @!p0 s6, $0x9  }
0xa2: {  	s3 =	smul.u32 @!p0 $0xC, s3  }
0xa3: {  	s4 =	simm.s32 @p0 $0x2;
	s5 =	sshll.u32 @!p0 s1, $0x3  }
0xa4: {  	_ =	swait.ge @p0 [sflag:s4], $0x200;
	s3 =	ssub.s32 @!p0 s5, s3  }
0xa5: {  	[sflag:s4] =	ssyncset.done @p0 $0x0;
	s3 =	sand.u32 @!p0 $0xFC, s3  }
0xa6: {  	[sflag:s4] =	ssyncadd.s32 @p0 $0xFFFFFE00;
	s4 =	sshll.u32 @!p0 s1, $0x7;
	s3 =	sshll.u32 @!p0 s3, $0x7  }
0xa7: {  	s2 =	sadd.s32 @!p0 s2, s4;
	s4 =	simm.s32 @!p0 $0x0;
	s3 =	sadd.s32 @!p0 $0x700, s3  }
0xa8: {  	[hbm4b:s2+s4] =	stream.linear.scatter @!p0 [tilespmem:s3], [sflag:$0x2], $0x400, $0x38;
	[tilespmem:$0xF00] =	vst v63  }
0xa9: {  	s2 =	simm.s32 @!p0 $0x2  }
0xaa: {  	_ =	swait.ge @!p0 [sflag:s2], $0x400  }
0xab: {  	[sflag:s2] =	ssyncset.done @!p0 $0x0  }
0xac: {  	[sflag:s2] =	ssyncadd.s32 @!p0 $0xFFFFFC00  }
.LBB2_2:
0xad: {  	_ =	sfence.sel $0x180000  }
0xae: {  	[bflag:$0x0] =	sbarrier.arrive $0xFFFF  }
0xaf: {  	p0 =	sne.s32 s1, $0x0;
	_ =	strace $0x90000047  }
0xb0: {  	s0 =	sadd.s32 @!p0 $0x100000, s0;
	[bflag:$0x2] =	sbarrier.arrive $0xFFFF  }
0xb1: {  	[sflag:s0] =	ssyncadd.tile.s32 @!p0 $0x1;
	_ =	shalt  }
.Lfunc_end2:
_tile_overlayer_lowered:
.L_overlay_start_2:
0xb2: {  	(tag) =	ssettag $0x2  }
0xb3: {  	s0 =	rddreg [dreg:$0x0];
	s2 =	stileid.u32  }
0xb4: {  	s1 =	rddreg [dreg:$0x1];
	p0 =	sne.s32 s2, $0x0  }
0xb5: {  	s3 =	rddreg [dreg:$0x2];
	[bflag:$0x3] =	sbarrier.arrive $0xFFFF;
	s2 =	simm.s32 @!p0 $0x1C02  }
0xb6: {  	[timem:s3], [sflag:s2] =	dma.local @!p0 [hbm:s0], s1  }
0xb7: {  	s0 =	simm.s32 @!p0 $0x2  }
0xb8: {  	_ =	swait.ge @!p0 [sflag:s0], s1  }
0xb9: {  	s1 =	ssub.s32 @!p0 $0x0, s1;
	[sflag:s0] =	ssyncset.done @!p0 $0x0  }
0xba: {  	[sflag:s0] =	ssyncadd.s32 @!p0 s1  }
0xbb: {  	[bflag:$0x3] =	sbarrier.arrive $0xFFFF  }
0xbc: {  	_ =	shalt  }

</sc_bundles>
